<compile_context>
chip_gen: v7x
topology: tpu7x:2x2x1
jax: 0.10.2.dev20260603
libtpu: 0.0.44.dev20260713+nightly
codegen_flags: <defaults>
</compile_context>

<pallas_src>
import functools

import jax
import jax.numpy as jnp
from jax import lax
from jax.experimental import pallas as pl
from jax.experimental.pallas import tpu as pltpu
from jax.experimental.pallas import tpu_sc as plsc

NC = 2
NS = 16
NW = NC * NS
K = 128
CHB = 40
NBUF = 2


@functools.lru_cache(maxsize=2)
def _build(n, e, d):
    nbt = -(-e // (NW * CHB * K)) * (NW * CHB)
    nbw = nbt // NW
    e_pad = nbt * K
    n_pad = -(-(n + 1) // 2048) * 2048
    nhr = n_pad // 128
    hz = nhr // NS
    nrt = n_pad // NS

    mesh = plsc.VectorSubcoreMesh(
        core_axis_name="c", subcore_axis_name="s", num_cores=NC, num_subcores=NS
    )

    @functools.partial(
        pl.kernel,
        out_type=jax.ShapeDtypeStruct((NC, 2, nhr, 128), jnp.float32),
        mesh=mesh,
        compiler_params=pltpu.CompilerParams(needs_layout_passes=False),
        scratch_types=[
            pltpu.VMEM((nbw, K), jnp.int32),
            pltpu.VMEM((nbw, K), jnp.int32),
            pltpu.VMEM((nhr, 128), jnp.float32),
            pltpu.VMEM((nhr, 128), jnp.float32),
            pltpu.VMEM((1, nhr), jnp.int32),
            pltpu.MemorySpace.VMEM_SHARED((nhr, 128), jnp.float32),
            pltpu.MemorySpace.VMEM_SHARED((nhr, 128), jnp.float32),
        ],
    )
    def deg_kernel(srcr, dstr, rowidx, out, idx_s, idx_d, hist_s, hist_d,
                   rowidx_v, sh_s, sh_d):
        c = lax.axis_index("c")
        s = lax.axis_index("s")
        wid = c * NS + s
        strip = pl.multiple_of(wid * nbw, 8)
        pltpu.sync_copy(srcr.at[pl.ds(strip, nbw)], idx_s)
        pltpu.sync_copy(dstr.at[pl.ds(strip, nbw)], idx_d)
        pltpu.sync_copy(rowidx, rowidx_v)

        zero = jnp.zeros((16,), jnp.float32)

        def zbody(r, carry):
            def zinner(cc, carry2):
                hist_s[r, pl.ds(cc * 16, 16)] = zero
                hist_d[r, pl.ds(cc * 16, 16)] = zero
                return carry2

            return lax.fori_loop(0, 128 // 16, zinner, carry)

        lax.fori_loop(0, nhr, zbody, 0)

        @pl.when(s < nhr // 8)
        def _():
            zoff = pl.multiple_of(s * 8, 8)
            pltpu.sync_copy(hist_s.at[pl.ds(zoff, 8)], sh_s.at[pl.ds(zoff, 8)])
            pltpu.sync_copy(hist_d.at[pl.ds(zoff, 8)], sh_d.at[pl.ds(zoff, 8)])

        plsc.subcore_barrier()

        ones = jnp.ones((16,), jnp.float32)

        def hbody(b, carry):
            def inner(cc, carry2):
                vs = idx_s[b, pl.ds(cc * 16, 16)]
                plsc.addupdate_scatter(hist_s, [vs >> 7, vs & 127], ones)
                vd = idx_d[b, pl.ds(cc * 16, 16)]
                plsc.addupdate_scatter(hist_d, [vd >> 7, vd & 127], ones)
                return carry2

            return lax.fori_loop(0, K // 16, inner, carry)

        lax.fori_loop(0, nbw, hbody, 0)

        pltpu.sync_copy(hist_s, sh_s.at[rowidx_v.at[0]], add=True)
        pltpu.sync_copy(hist_d, sh_d.at[rowidx_v.at[0]], add=True)
        plsc.subcore_barrier()

        @pl.when(s == 0)
        def _():
            pltpu.sync_copy(sh_s, out.at[c, 0])
            pltpu.sync_copy(sh_d, out.at[c, 1])

    @functools.partial(
        pl.kernel,
        out_type=jax.ShapeDtypeStruct((NC, n_pad, d), jnp.float32),
        mesh=mesh,
        compiler_params=pltpu.CompilerParams(needs_layout_passes=False),
        scratch_types=[
            pltpu.VMEM((CHB, K), jnp.int32),
            pltpu.VMEM((CHB, K), jnp.int32),
            [pltpu.VMEM((K, d), jnp.float32) for _ in range(NBUF)],
            [pltpu.SemaphoreType.DMA for _ in range(NBUF)],
            pltpu.MemorySpace.VMEM_SHARED((n_pad, d), jnp.float32),
        ],
    )
    def agg_kernel(xs, srcr, dstr, zhbm, out, src_c, dst_c, rows, gsems,
                   acc):
        c = lax.axis_index("c")
        s = lax.axis_index("s")
        wid = c * NS + s
        strip = pl.multiple_of(wid * nbw, 8)
        base = pl.multiple_of(s * nrt, 128)
        pltpu.sync_copy(zhbm, acc.at[pl.ds(base, nrt)])
        plsc.subcore_barrier()

        for ch in range(nbw // CHB):
            coff = pl.multiple_of(strip + ch * CHB, 8)
            pltpu.sync_copy(srcr.at[pl.ds(coff, CHB)], src_c)
            pltpu.sync_copy(dstr.at[pl.ds(coff, CHB)], dst_c)
            pltpu.async_copy(xs.at[src_c.at[0]], rows[0], gsems[0])
            pltpu.async_copy(xs.at[src_c.at[1]], rows[1], gsems[1])

            def body(j2, carry):
                for p in range(NBUF):
                    t = j2 * NBUF + p
                    pltpu.make_async_copy(xs.at[src_c.at[t]], rows[p],
                                          gsems[p]).wait()
                    pltpu.sync_copy(rows[p], acc.at[dst_c.at[t]], add=True)

                    @pl.when(t + 2 < CHB)
                    def _():
                        pltpu.async_copy(xs.at[src_c.at[t + 2]], rows[p],
                                         gsems[p])

                return carry

            lax.fori_loop(0, CHB // NBUF, body, 0)

        plsc.subcore_barrier()
        pltpu.sync_copy(acc.at[pl.ds(base, nrt)], out.at[c, pl.ds(base, nrt)])

    def prep_body(heat, sd0, sd1, xs_out):
        sn = lax.rsqrt(jnp.maximum(sd0[...] + sd1[...], 1.0))[:n]
        xs_out[pl.ds(0, n), :] = heat[...] * sn
        xs_out[pl.ds(n, n_pad - n), :] = jnp.zeros((n_pad - n, d), jnp.float32)

    prep_call = pl.pallas_call(
        prep_body,
        out_shape=jax.ShapeDtypeStruct((n_pad, d), jnp.float32),
        compiler_params=pltpu.CompilerParams(vmem_limit_bytes=100 * 1024 * 1024),
    )

    def layer_body(emit_next, parts, dd0, dd1, sd0, sd1, w, brow, acrow, grow,
                   btrow, aarow, ghin, out1, out2):
        dn = lax.rsqrt(jnp.maximum(dd0[...] + dd1[...], 1.0))[:n]
        agg = (parts[0, pl.ds(0, n), :] + parts[1, pl.ds(0, n), :]) * dn
        y = jnp.dot(agg, w[...], preferred_element_type=jnp.float32) + brow[...]
        ac = acrow[...]
        y = jnp.where(y >= 0, y, y * ac)
        mu = jnp.mean(y, axis=0, keepdims=True)
        var = jnp.mean(y * y, axis=0, keepdims=True) - mu * mu
        hh = (y - mu) * lax.rsqrt(var + 1e-5) * grow[...] + btrow[...]
        aa = aarow[...]
        hh = jnp.where(hh >= 0, hh, hh * aa)
        gh = jnp.sum(hh, axis=0, keepdims=True)
        if emit_next:
            sn = lax.rsqrt(jnp.maximum(sd0[...] + sd1[...], 1.0))[:n]
            out1[pl.ds(0, n), :] = hh * sn
            out1[pl.ds(n, n_pad - n), :] = jnp.zeros((n_pad - n, d), jnp.float32)
        else:
            out1[...] = hh
        out2[...] = gh + ghin[...]

    layer1_call = pl.pallas_call(
        functools.partial(layer_body, True),
        out_shape=(jax.ShapeDtypeStruct((n_pad, d), jnp.float32),
                   jax.ShapeDtypeStruct((1, d), jnp.float32)),
        compiler_params=pltpu.CompilerParams(vmem_limit_bytes=100 * 1024 * 1024),
    )
    layer2_call = pl.pallas_call(
        functools.partial(layer_body, False),
        out_shape=(jax.ShapeDtypeStruct((n, d), jnp.float32),
                   jax.ShapeDtypeStruct((1, d), jnp.float32)),
        compiler_params=pltpu.CompilerParams(vmem_limit_bytes=100 * 1024 * 1024),
    )

    return (deg_kernel, agg_kernel, prep_call, layer1_call, layer2_call,
            nbt, e_pad, n_pad, nhr)


def kernel(heat, edge_index, W1, b1, a_conv1, gamma0, beta0, a_act0,
           W2, b2, a_conv2, gamma1, beta1, a_act1):
    n, d = heat.shape
    e = edge_index.shape[1]
    (deg_kernel, agg_kernel, prep_call, layer1_call, layer2_call,
     nbt, e_pad, n_pad, nhr) = _build(n, e, d)

    pad = e_pad - e
    fill = n + jnp.arange(pad, dtype=jnp.int32) % (n_pad - n)
    srcr = jnp.concatenate([edge_index[0], fill]).reshape(nbt, K)
    dstr = jnp.concatenate([edge_index[1], fill]).reshape(nbt, K)
    rowidx = jnp.arange(nhr, dtype=jnp.int32).reshape(1, nhr)
    zer = jnp.zeros((n_pad // NS, d), jnp.float32)

    degs = deg_kernel(srcr, dstr, rowidx)
    sd0 = degs[0, 0].reshape(n_pad, 1)
    sd1 = degs[1, 0].reshape(n_pad, 1)
    dd0 = degs[0, 1].reshape(n_pad, 1)
    dd1 = degs[1, 1].reshape(n_pad, 1)

    b1r = b1.reshape(1, d)
    g0r = gamma0.reshape(1, d)
    bt0r = beta0.reshape(1, d)
    b2r = b2.reshape(1, d)
    g1r = gamma1.reshape(1, d)
    bt1r = beta1.reshape(1, d)
    ac1r = jnp.full((1, d), a_conv1, jnp.float32)
    aa0r = jnp.full((1, d), a_act0, jnp.float32)
    ac2r = jnp.full((1, d), a_conv2, jnp.float32)
    aa1r = jnp.full((1, d), a_act1, jnp.float32)
    gh0 = jnp.zeros((1, d), jnp.float32)

    xs1 = prep_call(heat, sd0, sd1)
    parts1 = agg_kernel(xs1, srcr, dstr, zer)
    xs2, gh1 = layer1_call(parts1, dd0, dd1, sd0, sd1, W1, b1r, ac1r, g0r,
                           bt0r, aa0r, gh0)
    parts2 = agg_kernel(xs2, srcr, dstr, zer)
    h, gh = layer2_call(parts2, dd0, dd1, sd0, sd1, W2, b2r, ac2r, g1r,
                        bt1r, aa1r, gh1)
    return (h, gh)

# --- scband reference (transcript-rebuilt; emitter-appended) ---
"""Pipeline reference for scband-encoder-25031069401693 (READ-ONLY COPY).

The authoritative reference and input builder live on the scoring server;
editing this copy changes nothing except your own understanding.
"""

import jax, jax.numpy as jnp
import numpy as np

N = 10000
E = 320000
D = 128

def prelu(x, a):
    return jnp.where(x >= 0, x, a * x)

def setup_inputs(seed: int = 0) -> dict:
    key = jax.random.key(seed)
    ks = jax.random.split(key, 6)
    heat = jax.random.normal(ks[0], (N, D), dtype=jnp.float32)
    edge_index = jax.random.randint(ks[1], (2, E), 0, N, dtype=jnp.int32)
    W1 = jax.random.normal(ks[2], (D, D), dtype=jnp.float32) * 0.05
    b1 = jnp.zeros((D,), dtype=jnp.float32)
    a_conv1 = jnp.array(0.25, dtype=jnp.float32)
    gamma0 = jnp.ones((D,), dtype=jnp.float32)
    beta0 = jnp.zeros((D,), dtype=jnp.float32)
    a_act0 = jnp.array(0.25, dtype=jnp.float32)
    W2 = jax.random.normal(ks[3], (D, D), dtype=jnp.float32) * 0.05
    b2 = jnp.zeros((D,), dtype=jnp.float32)
    a_conv2 = jnp.array(0.25, dtype=jnp.float32)
    gamma1 = jnp.ones((D,), dtype=jnp.float32)
    beta1 = jnp.zeros((D,), dtype=jnp.float32)
    a_act1 = jnp.array(0.25, dtype=jnp.float32)
    return {"heat": heat, "edge_index": edge_index, "W1": W1, "b1": b1, "a_conv1": a_conv1, "gamma0": gamma0, "beta0": beta0, "a_act0": a_act0, "W2": W2, "b2": b2, "a_conv2": a_conv2, "gamma1": gamma1, "beta1": beta1, "a_act1": a_act1}

def reference(heat, edge_index, W1, b1, a_conv1, gamma0, beta0, a_act0, W2, b2, a_conv2, gamma1, beta1, a_act1):
    src = edge_index[0]
    dst = edge_index[1]
    n = heat.shape[0]
    out_deg = jnp.maximum(jnp.bincount(src, length=n).astype(jnp.float32), 1.0)
    in_deg = jnp.maximum(jnp.bincount(dst, length=n).astype(jnp.float32), 1.0)
    sn = out_deg ** -0.5
    dn = in_deg ** -0.5

    def gconv(x, W, b, a):
        h = x * sn[:, None]
        m = h[src]
        agg = jax.ops.segment_sum(m, dst, num_segments=n)
        agg = agg * dn[:, None]
        agg = agg @ W + b
        return prelu(agg, a)

    def bnorm(x, g, bt):
        mu = jnp.mean(x, axis=0)
        var = jnp.var(x, axis=0)
        return (x - mu) / jnp.sqrt(var + 1e-5) * g + bt

    # dropout in eval mode -> identity
    h = gconv(heat, W1, b1, a_conv1)
    h = bnorm(h, gamma0, beta0)
    h = prelu(h, a_act0)
    gh = jnp.sum(h, axis=0, keepdims=True)
    h = gconv(h, W2, b2, a_conv2)
    h = bnorm(h, gamma1, beta1)
    h = prelu(h, a_act1)
    gh = gh + jnp.sum(h, axis=0, keepdims=True)
    return (h, gh)

if __name__ == "__main__":
    import jax
    _d = setup_inputs()
    print(jax.jit(kernel)(*tuple(_d.values())))

</pallas_src>

<mosaic_0001>
#map = affine_map<(d0, d1) -> (0, 0)>
#map1 = affine_map<(d0, d1) -> (0, 0, 0, 0)>
module attributes {stable_mosaic.version = 14 : i64} {
  func.func @deg_kernel(%arg0: i32, %arg1: i32, %arg2: memref<2560x128xi32, #tpu.memory_space<hbm>>, %arg3: memref<2560x128xi32, #tpu.memory_space<hbm>>, %arg4: memref<1x80xi32, #tpu.memory_space<hbm>>, %arg5: memref<2x2x80x128xf32, #tpu.memory_space<hbm>>, %arg6: memref<80x128xi32, #tpu.memory_space<vmem>>, %arg7: memref<80x128xi32, #tpu.memory_space<vmem>>, %arg8: memref<80x128xf32, #tpu.memory_space<vmem>>, %arg9: memref<80x128xf32, #tpu.memory_space<vmem>>, %arg10: memref<1x80xi32, #tpu.memory_space<vmem>>, %arg11: memref<80x128xf32, #tpu.memory_space<vmem_shared>>, %arg12: memref<80x128xf32, #tpu.memory_space<vmem_shared>>) attributes {dimension_semantics = [#tpu.dimension_semantics<core_parallel>, #tpu.dimension_semantics<subcore_parallel>], iteration_bounds = array<i64: 2, 16>, scalar_prefetch = 0 : i64, scratch_operands = 7 : i64, tpu.core_type = #tpu.core_type<sc_vector_subcore>, window_params = [{transform_indices = #map}, {transform_indices = #map}, {transform_indices = #map}, {transform_indices = #map1}]} {
    %mul3A = arith.constant 16 : i32
    %mul3A_0 = arith.muli %arg0, %mul3A : i32
    %add3A = arith.addi %mul3A_0, %arg1 : i32
    %mul3A_1 = arith.constant 80 : i32
    %mul3A_2 = arith.muli %add3A, %mul3A_1 : i32
    %multiple_of3A = tpu.assume_multiple %mul3A_2, 8 : i32
    "tpu.region"() ({
      %run_scoped3A_25 = tpu.sem_alloc : memref<!tpu.dma_semaphore, #tpu.memory_space<semaphore_mem>>
      %dma_start3A = arith.constant 0 : i32
      %dma_start3A_26 = tpu.memref_slice %arg2[%multiple_of3A, %dma_start3A] : memref<2560x128xi32, #tpu.memory_space<hbm>> -> memref<80x128xi32, #tpu.memory_space<hbm>>
      %dma_start3A_27 = arith.constant 0 : i32
      %dma_start3A_28 = tpu.memref_slice %arg2[%multiple_of3A, %dma_start3A_27] : memref<2560x128xi32, #tpu.memory_space<hbm>> -> memref<80x128xi32, #tpu.memory_space<hbm>>
      tpu.enqueue_dma source(%dma_start3A_28 : memref<80x128xi32, #tpu.memory_space<hbm>>) target(%arg6 : memref<80x128xi32, #tpu.memory_space<vmem>>) target_semaphore(%run_scoped3A_25 : memref<!tpu.dma_semaphore, #tpu.memory_space<semaphore_mem>>)
      %dma_wait3A = arith.constant 0 : i32
      %dma_wait3A_29 = tpu.memref_slice %arg2[%multiple_of3A, %dma_wait3A] : memref<2560x128xi32, #tpu.memory_space<hbm>> -> memref<80x128xi32, #tpu.memory_space<hbm>>
      %dma_wait3A_30 = arith.constant 0 : i32
      %dma_wait3A_31 = tpu.memref_slice %arg2[%multiple_of3A, %dma_wait3A_30] : memref<2560x128xi32, #tpu.memory_space<hbm>> -> memref<80x128xi32, #tpu.memory_space<hbm>>
      tpu.wait_dma2 semaphore(%run_scoped3A_25 : memref<!tpu.dma_semaphore, #tpu.memory_space<semaphore_mem>>) src(%dma_wait3A_31 : memref<80x128xi32, #tpu.memory_space<hbm>>) dst(%arg6 : memref<80x128xi32, #tpu.memory_space<vmem>>)
      tpu.yield
    }) : () -> ()
    "tpu.region"() ({
      %run_scoped3A_25 = tpu.sem_alloc : memref<!tpu.dma_semaphore, #tpu.memory_space<semaphore_mem>>
      %dma_start3A = arith.constant 0 : i32
      %dma_start3A_26 = tpu.memref_slice %arg3[%multiple_of3A, %dma_start3A] : memref<2560x128xi32, #tpu.memory_space<hbm>> -> memref<80x128xi32, #tpu.memory_space<hbm>>
      %dma_start3A_27 = arith.constant 0 : i32
      %dma_start3A_28 = tpu.memref_slice %arg3[%multiple_of3A, %dma_start3A_27] : memref<2560x128xi32, #tpu.memory_space<hbm>> -> memref<80x128xi32, #tpu.memory_space<hbm>>
      tpu.enqueue_dma source(%dma_start3A_28 : memref<80x128xi32, #tpu.memory_space<hbm>>) target(%arg7 : memref<80x128xi32, #tpu.memory_space<vmem>>) target_semaphore(%run_scoped3A_25 : memref<!tpu.dma_semaphore, #tpu.memory_space<semaphore_mem>>)
      %dma_wait3A = arith.constant 0 : i32
      %dma_wait3A_29 = tpu.memref_slice %arg3[%multiple_of3A, %dma_wait3A] : memref<2560x128xi32, #tpu.memory_space<hbm>> -> memref<80x128xi32, #tpu.memory_space<hbm>>
      %dma_wait3A_30 = arith.constant 0 : i32
      %dma_wait3A_31 = tpu.memref_slice %arg3[%multiple_of3A, %dma_wait3A_30] : memref<2560x128xi32, #tpu.memory_space<hbm>> -> memref<80x128xi32, #tpu.memory_space<hbm>>
      tpu.wait_dma2 semaphore(%run_scoped3A_25 : memref<!tpu.dma_semaphore, #tpu.memory_space<semaphore_mem>>) src(%dma_wait3A_31 : memref<80x128xi32, #tpu.memory_space<hbm>>) dst(%arg7 : memref<80x128xi32, #tpu.memory_space<vmem>>)
      tpu.yield
    }) : () -> ()
    "tpu.region"() ({
      %run_scoped3A_25 = tpu.sem_alloc : memref<!tpu.dma_semaphore, #tpu.memory_space<semaphore_mem>>
      tpu.enqueue_dma source(%arg4 : memref<1x80xi32, #tpu.memory_space<hbm>>) target(%arg10 : memref<1x80xi32, #tpu.memory_space<vmem>>) target_semaphore(%run_scoped3A_25 : memref<!tpu.dma_semaphore, #tpu.memory_space<semaphore_mem>>)
      tpu.wait_dma2 semaphore(%run_scoped3A_25 : memref<!tpu.dma_semaphore, #tpu.memory_space<semaphore_mem>>) src(%arg4 : memref<1x80xi32, #tpu.memory_space<hbm>>) dst(%arg10 : memref<1x80xi32, #tpu.memory_space<vmem>>)
      tpu.yield
    }) : () -> ()
    %broadcast_in_dim3A = arith.constant 0.000000e+00 : f32
    %broadcast_in_dim3A_3 = vector.broadcast %broadcast_in_dim3A : f32 to vector<16xf32>
    %scan3A = arith.constant 0 : i32
    %scan3A_4 = arith.constant 0 : i32
    %scan3A_5 = arith.constant 80 : i32
    %scan3A_6 = arith.addi %scan3A_4, %scan3A_5 : i32
    %scan3A_7 = arith.constant 1 : i32
    scf.for %scan3A_25 = %scan3A_4 to %scan3A_6 step %scan3A_7  : i32 {
      %scan3A_26 = arith.constant 0 : i32
      %scan3A_27 = arith.constant 8 : i32
      %scan3A_28 = arith.addi %scan3A_26, %scan3A_27 : i32
      %scan3A_29 = arith.constant 1 : i32
      scf.for %scan3A_31 = %scan3A_26 to %scan3A_28 step %scan3A_29  : i32 {
        %mul3A_32 = arith.constant 16 : i32
        %mul3A_33 = arith.muli %scan3A_31, %mul3A_32 : i32
        %swap3A = arith.index_cast %scan3A_25 : i32 to index
        %swap3A_34 = arith.index_cast %mul3A_33 : i32 to index
        %swap3A_35 = tpu.vector_load %arg8[%swap3A, %swap3A_34] {strides = array<i32>} : memref<80x128xf32, #tpu.memory_space<vmem>>, vector<16xf32>,
        tpu.vector_store %arg8[%swap3A, %swap3A_34], %broadcast_in_dim3A_3 {strides = array<i32>} : memref<80x128xf32, #tpu.memory_space<vmem>>, vector<16xf32>,
        %mul3A_36 = arith.constant 16 : i32
        %mul3A_37 = arith.muli %scan3A_31, %mul3A_36 : i32
        %swap3A_38 = arith.index_cast %scan3A_25 : i32 to index
        %swap3A_39 = arith.index_cast %mul3A_37 : i32 to index
        %swap3A_40 = tpu.vector_load %arg9[%swap3A_38, %swap3A_39] {strides = array<i32>} : memref<80x128xf32, #tpu.memory_space<vmem>>, vector<16xf32>,
        tpu.vector_store %arg9[%swap3A_38, %swap3A_39], %broadcast_in_dim3A_3 {strides = array<i32>} : memref<80x128xf32, #tpu.memory_space<vmem>>, vector<16xf32>,
      }
      %scan3A_30 = arith.constant 8 : i32
    }
    %scan3A_8 = arith.constant 80 : i32
    %lt3A = arith.constant 10 : i32
    %lt3A_9 = arith.cmpi slt, %arg1, %lt3A : i32
    %convert_element_type3A = arith.extui %lt3A_9 : i1 to i32
    %cond3A = arith.constant 0 : i32
    %cond3A_10 = arith.cmpi ne, %convert_element_type3A, %cond3A : i32
    scf.if %cond3A_10 {
      %mul3A_25 = arith.constant 8 : i32
      %mul3A_26 = arith.muli %arg1, %mul3A_25 : i32
      %multiple_of3A_27 = tpu.assume_multiple %mul3A_26, 8 : i32
      "tpu.region"() ({
        %run_scoped3A_28 = tpu.sem_alloc : memref<!tpu.dma_semaphore, #tpu.memory_space<semaphore_mem>>
        %dma_start3A = arith.constant 0 : i32
        %dma_start3A_29 = tpu.memref_slice %arg8[%multiple_of3A_27, %dma_start3A] : memref<80x128xf32, #tpu.memory_space<vmem>> -> memref<8x128xf32, #tpu.memory_space<vmem>>
        %dma_start3A_30 = arith.constant 0 : i32
        %dma_start3A_31 = tpu.memref_slice %arg11[%multiple_of3A_27, %dma_start3A_30] : memref<80x128xf32, #tpu.memory_space<vmem_shared>> -> memref<8x128xf32, #tpu.memory_space<vmem_shared>>
        %dma_start3A_32 = arith.constant 0 : i32
        %dma_start3A_33 = tpu.memref_slice %arg11[%multiple_of3A_27, %dma_start3A_32] : memref<80x128xf32, #tpu.memory_space<vmem_shared>> -> memref<8x128xf32, #tpu.memory_space<vmem_shared>>
        %dma_start3A_34 = arith.constant 0 : i32
        %dma_start3A_35 = tpu.memref_slice %arg8[%multiple_of3A_27, %dma_start3A_34] : memref<80x128xf32, #tpu.memory_space<vmem>> -> memref<8x128xf32, #tpu.memory_space<vmem>>
        tpu.enqueue_dma source(%dma_start3A_35 : memref<8x128xf32, #tpu.memory_space<vmem>>) target(%dma_start3A_33 : memref<8x128xf32, #tpu.memory_space<vmem_shared>>) target_semaphore(%run_scoped3A_28 : memref<!tpu.dma_semaphore, #tpu.memory_space<semaphore_mem>>)
        %dma_wait3A = arith.constant 0 : i32
        %dma_wait3A_36 = tpu.memref_slice %arg8[%multiple_of3A_27, %dma_wait3A] : memref<80x128xf32, #tpu.memory_space<vmem>> -> memref<8x128xf32, #tpu.memory_space<vmem>>
        %dma_wait3A_37 = arith.constant 0 : i32
        %dma_wait3A_38 = tpu.memref_slice %arg11[%multiple_of3A_27, %dma_wait3A_37] : memref<80x128xf32, #tpu.memory_space<vmem_shared>> -> memref<8x128xf32, #tpu.memory_space<vmem_shared>>
        %dma_wait3A_39 = arith.constant 0 : i32
        %dma_wait3A_40 = tpu.memref_slice %arg11[%multiple_of3A_27, %dma_wait3A_39] : memref<80x128xf32, #tpu.memory_space<vmem_shared>> -> memref<8x128xf32, #tpu.memory_space<vmem_shared>>
        %dma_wait3A_41 = arith.constant 0 : i32
        %dma_wait3A_42 = tpu.memref_slice %arg8[%multiple_of3A_27, %dma_wait3A_41] : memref<80x128xf32, #tpu.memory_space<vmem>> -> memref<8x128xf32, #tpu.memory_space<vmem>>
        tpu.wait_dma2 semaphore(%run_scoped3A_28 : memref<!tpu.dma_semaphore, #tpu.memory_space<semaphore_mem>>) src(%dma_wait3A_42 : memref<8x128xf32, #tpu.memory_space<vmem>>) dst(%dma_wait3A_40 : memref<8x128xf32, #tpu.memory_space<vmem_shared>>)
        tpu.yield
      }) : () -> ()
      "tpu.region"() ({
        %run_scoped3A_28 = tpu.sem_alloc : memref<!tpu.dma_semaphore, #tpu.memory_space<semaphore_mem>>
        %dma_start3A = arith.constant 0 : i32
        %dma_start3A_29 = tpu.memref_slice %arg9[%multiple_of3A_27, %dma_start3A] : memref<80x128xf32, #tpu.memory_space<vmem>> -> memref<8x128xf32, #tpu.memory_space<vmem>>
        %dma_start3A_30 = arith.constant 0 : i32
        %dma_start3A_31 = tpu.memref_slice %arg12[%multiple_of3A_27, %dma_start3A_30] : memref<80x128xf32, #tpu.memory_space<vmem_shared>> -> memref<8x128xf32, #tpu.memory_space<vmem_shared>>
        %dma_start3A_32 = arith.constant 0 : i32
        %dma_start3A_33 = tpu.memref_slice %arg12[%multiple_of3A_27, %dma_start3A_32] : memref<80x128xf32, #tpu.memory_space<vmem_shared>> -> memref<8x128xf32, #tpu.memory_space<vmem_shared>>
        %dma_start3A_34 = arith.constant 0 : i32
        %dma_start3A_35 = tpu.memref_slice %arg9[%multiple_of3A_27, %dma_start3A_34] : memref<80x128xf32, #tpu.memory_space<vmem>> -> memref<8x128xf32, #tpu.memory_space<vmem>>
        tpu.enqueue_dma source(%dma_start3A_35 : memref<8x128xf32, #tpu.memory_space<vmem>>) target(%dma_start3A_33 : memref<8x128xf32, #tpu.memory_space<vmem_shared>>) target_semaphore(%run_scoped3A_28 : memref<!tpu.dma_semaphore, #tpu.memory_space<semaphore_mem>>)
        %dma_wait3A = arith.constant 0 : i32
        %dma_wait3A_36 = tpu.memref_slice %arg9[%multiple_of3A_27, %dma_wait3A] : memref<80x128xf32, #tpu.memory_space<vmem>> -> memref<8x128xf32, #tpu.memory_space<vmem>>
        %dma_wait3A_37 = arith.constant 0 : i32
        %dma_wait3A_38 = tpu.memref_slice %arg12[%multiple_of3A_27, %dma_wait3A_37] : memref<80x128xf32, #tpu.memory_space<vmem_shared>> -> memref<8x128xf32, #tpu.memory_space<vmem_shared>>
        %dma_wait3A_39 = arith.constant 0 : i32
        %dma_wait3A_40 = tpu.memref_slice %arg12[%multiple_of3A_27, %dma_wait3A_39] : memref<80x128xf32, #tpu.memory_space<vmem_shared>> -> memref<8x128xf32, #tpu.memory_space<vmem_shared>>
        %dma_wait3A_41 = arith.constant 0 : i32
        %dma_wait3A_42 = tpu.memref_slice %arg9[%multiple_of3A_27, %dma_wait3A_41] : memref<80x128xf32, #tpu.memory_space<vmem>> -> memref<8x128xf32, #tpu.memory_space<vmem>>
        tpu.wait_dma2 semaphore(%run_scoped3A_28 : memref<!tpu.dma_semaphore, #tpu.memory_space<semaphore_mem>>) src(%dma_wait3A_42 : memref<8x128xf32, #tpu.memory_space<vmem>>) dst(%dma_wait3A_40 : memref<8x128xf32, #tpu.memory_space<vmem_shared>>)
        tpu.yield
      }) : () -> ()
    } else {
    }
    %barrier3A = arith.constant 0 : index
    tpu.barrier barrier_id(%barrier3A)
    %broadcast_in_dim3A_11 = arith.constant 1.000000e+00 : f32
    %broadcast_in_dim3A_12 = vector.broadcast %broadcast_in_dim3A_11 : f32 to vector<16xf32>
    %scan3A_13 = arith.constant 0 : i32
    %scan3A_14 = arith.constant 0 : i32
    %scan3A_15 = arith.constant 80 : i32
    %scan3A_16 = arith.addi %scan3A_14, %scan3A_15 : i32
    %scan3A_17 = arith.constant 1 : i32
    scf.for %scan3A_25 = %scan3A_14 to %scan3A_16 step %scan3A_17  : i32 {
      %scan3A_26 = arith.constant 0 : i32
      %scan3A_27 = arith.constant 8 : i32
      %scan3A_28 = arith.addi %scan3A_26, %scan3A_27 : i32
      %scan3A_29 = arith.constant 1 : i32
      scf.for %scan3A_31 = %scan3A_26 to %scan3A_28 step %scan3A_29  : i32 {
        %mul3A_32 = arith.constant 16 : i32
        %mul3A_33 = arith.muli %scan3A_31, %mul3A_32 : i32
        %get3A = arith.index_cast %scan3A_25 : i32 to index
        %get3A_34 = arith.index_cast %mul3A_33 : i32 to index
        %get3A_35 = tpu.vector_load %arg6[%get3A, %get3A_34] {strides = array<i32>} : memref<80x128xi32, #tpu.memory_space<vmem>>, vector<16xi32>,
        %shift_right_arithmetic3A = arith.constant 7 : i32
        %shift_right_arithmetic3A_36 = vector.broadcast %shift_right_arithmetic3A : i32 to vector<16xi32>
        %shift_right_arithmetic3A_37 = arith.shrsi %get3A_35, %shift_right_arithmetic3A_36 : vector<16xi32>
        %and3A = arith.constant 127 : i32
        %and3A_38 = vector.broadcast %and3A : i32 to vector<16xi32>
        %and3A_39 = arith.andi %get3A_35, %and3A_38 : vector<16xi32>
        tpu.vector_store_idx %arg8[%shift_right_arithmetic3A_37, %and3A_39], %broadcast_in_dim3A_12 {add = true} : memref<80x128xf32, #tpu.memory_space<vmem>>[vector<16xi32>, vector<16xi32>], vector<16xf32>,
        %mul3A_40 = arith.constant 16 : i32
        %mul3A_41 = arith.muli %scan3A_31, %mul3A_40 : i32
        %get3A_42 = arith.index_cast %scan3A_25 : i32 to index
        %get3A_43 = arith.index_cast %mul3A_41 : i32 to index
        %get3A_44 = tpu.vector_load %arg7[%get3A_42, %get3A_43] {strides = array<i32>} : memref<80x128xi32, #tpu.memory_space<vmem>>, vector<16xi32>,
        %shift_right_arithmetic3A_45 = arith.constant 7 : i32
        %shift_right_arithmetic3A_46 = vector.broadcast %shift_right_arithmetic3A_45 : i32 to vector<16xi32>
        %shift_right_arithmetic3A_47 = arith.shrsi %get3A_44, %shift_right_arithmetic3A_46 : vector<16xi32>
        %and3A_48 = arith.constant 127 : i32
        %and3A_49 = vector.broadcast %and3A_48 : i32 to vector<16xi32>
        %and3A_50 = arith.andi %get3A_44, %and3A_49 : vector<16xi32>
        tpu.vector_store_idx %arg9[%shift_right_arithmetic3A_47, %and3A_50], %broadcast_in_dim3A_12 {add = true} : memref<80x128xf32, #tpu.memory_space<vmem>>[vector<16xi32>, vector<16xi32>], vector<16xf32>,
      }
      %scan3A_30 = arith.constant 8 : i32
    }
    %scan3A_18 = arith.constant 80 : i32
    %run_scoped3A = arith.constant 0 : i32
    "tpu.region"() ({
      %run_scoped3A_25 = tpu.sem_alloc : memref<!tpu.dma_semaphore, #tpu.memory_space<semaphore_mem>>
      %dma_start3A = arith.constant 0 : i32
      %dma_start3A_26 = tpu.memref_slice %arg10[%run_scoped3A, %dma_start3A] : memref<1x80xi32, #tpu.memory_space<vmem>> -> memref<1x80xi32, #tpu.memory_space<vmem>>
      %dma_start3A_27 = tpu.memref_squeeze %dma_start3A_26 : memref<1x80xi32, #tpu.memory_space<vmem>> -> memref<80xi32, #tpu.memory_space<vmem>>
      %dma_start3A_28 = arith.constant 0 : i32
      %dma_start3A_29 = arith.constant 0 : i32
      %dma_start3A_30 = tpu.memref_slice %arg11[%dma_start3A_28, %dma_start3A_29] : memref<80x128xf32, #tpu.memory_space<vmem_shared>> -> memref<80x128xf32, #tpu.memory_space<vmem_shared>>
      tpu.enqueue_indirect_dma source(%arg8 : memref<80x128xf32, #tpu.memory_space<vmem>>) target(%dma_start3A_30 : memref<80x128xf32, #tpu.memory_space<vmem_shared>>) offsets(%dma_start3A_27 : memref<80xi32, #tpu.memory_space<vmem>>) semaphore(%run_scoped3A_25 : memref<!tpu.dma_semaphore, #tpu.memory_space<semaphore_mem>>) {add = true}
      %dma_wait3A = arith.constant 0 : i32
      %dma_wait3A_31 = tpu.memref_slice %arg10[%run_scoped3A, %dma_wait3A] : memref<1x80xi32, #tpu.memory_space<vmem>> -> memref<1x80xi32, #tpu.memory_space<vmem>>
      %dma_wait3A_32 = tpu.memref_squeeze %dma_wait3A_31 : memref<1x80xi32, #tpu.memory_space<vmem>> -> memref<80xi32, #tpu.memory_space<vmem>>
      %dma_wait3A_33 = arith.constant 0 : i32
      %dma_wait3A_34 = arith.constant 0 : i32
      %dma_wait3A_35 = tpu.memref_slice %arg11[%dma_wait3A_33, %dma_wait3A_34] : memref<80x128xf32, #tpu.memory_space<vmem_shared>> -> memref<80x128xf32, #tpu.memory_space<vmem_shared>>
      tpu.wait_indirect_dma semaphore(%run_scoped3A_25 : memref<!tpu.dma_semaphore, #tpu.memory_space<semaphore_mem>>) src(%arg8 : memref<80x128xf32, #tpu.memory_space<vmem>>) dst(%dma_wait3A_35 : memref<80x128xf32, #tpu.memory_space<vmem_shared>>)
      tpu.yield
    }) : () -> ()
    %run_scoped3A_19 = arith.constant 0 : i32
    "tpu.region"() ({
      %run_scoped3A_25 = tpu.sem_alloc : memref<!tpu.dma_semaphore, #tpu.memory_space<semaphore_mem>>
      %dma_start3A = arith.constant 0 : i32
      %dma_start3A_26 = tpu.memref_slice %arg10[%run_scoped3A_19, %dma_start3A] : memref<1x80xi32, #tpu.memory_space<vmem>> -> memref<1x80xi32, #tpu.memory_space<vmem>>
      %dma_start3A_27 = tpu.memref_squeeze %dma_start3A_26 : memref<1x80xi32, #tpu.memory_space<vmem>> -> memref<80xi32, #tpu.memory_space<vmem>>
      %dma_start3A_28 = arith.constant 0 : i32
      %dma_start3A_29 = arith.constant 0 : i32
      %dma_start3A_30 = tpu.memref_slice %arg12[%dma_start3A_28, %dma_start3A_29] : memref<80x128xf32, #tpu.memory_space<vmem_shared>> -> memref<80x128xf32, #tpu.memory_space<vmem_shared>>
      tpu.enqueue_indirect_dma source(%arg9 : memref<80x128xf32, #tpu.memory_space<vmem>>) target(%dma_start3A_30 : memref<80x128xf32, #tpu.memory_space<vmem_shared>>) offsets(%dma_start3A_27 : memref<80xi32, #tpu.memory_space<vmem>>) semaphore(%run_scoped3A_25 : memref<!tpu.dma_semaphore, #tpu.memory_space<semaphore_mem>>) {add = true}
      %dma_wait3A = arith.constant 0 : i32
      %dma_wait3A_31 = tpu.memref_slice %arg10[%run_scoped3A_19, %dma_wait3A] : memref<1x80xi32, #tpu.memory_space<vmem>> -> memref<1x80xi32, #tpu.memory_space<vmem>>
      %dma_wait3A_32 = tpu.memref_squeeze %dma_wait3A_31 : memref<1x80xi32, #tpu.memory_space<vmem>> -> memref<80xi32, #tpu.memory_space<vmem>>
      %dma_wait3A_33 = arith.constant 0 : i32
      %dma_wait3A_34 = arith.constant 0 : i32
      %dma_wait3A_35 = tpu.memref_slice %arg12[%dma_wait3A_33, %dma_wait3A_34] : memref<80x128xf32, #tpu.memory_space<vmem_shared>> -> memref<80x128xf32, #tpu.memory_space<vmem_shared>>
      tpu.wait_indirect_dma semaphore(%run_scoped3A_25 : memref<!tpu.dma_semaphore, #tpu.memory_space<semaphore_mem>>) src(%arg9 : memref<80x128xf32, #tpu.memory_space<vmem>>) dst(%dma_wait3A_35 : memref<80x128xf32, #tpu.memory_space<vmem_shared>>)
      tpu.yield
    }) : () -> ()
    %barrier3A_20 = arith.constant 0 : index
    tpu.barrier barrier_id(%barrier3A_20)
    %eq3A = arith.constant 0 : i32
    %eq3A_21 = arith.cmpi eq, %arg1, %eq3A : i32
    %convert_element_type3A_22 = arith.extui %eq3A_21 : i1 to i32
    %cond3A_23 = arith.constant 0 : i32
    %cond3A_24 = arith.cmpi ne, %convert_element_type3A_22, %cond3A_23 : i32
    scf.if %cond3A_24 {
      %run_scoped3A_25 = arith.constant 0 : i32
      "tpu.region"() ({
        %run_scoped3A_27 = tpu.sem_alloc : memref<!tpu.dma_semaphore, #tpu.memory_space<semaphore_mem>>
        %dma_start3A = arith.constant 0 : i32
        %dma_start3A_28 = arith.constant 0 : i32
        %dma_start3A_29 = tpu.memref_slice %arg5[%arg0, %run_scoped3A_25, %dma_start3A, %dma_start3A_28] : memref<2x2x80x128xf32, #tpu.memory_space<hbm>> -> memref<1x1x80x128xf32, #tpu.memory_space<hbm>>
        %dma_start3A_30 = tpu.memref_squeeze %dma_start3A_29 : memref<1x1x80x128xf32, #tpu.memory_space<hbm>> -> memref<80x128xf32, #tpu.memory_space<hbm>>
        tpu.enqueue_dma source(%arg11 : memref<80x128xf32, #tpu.memory_space<vmem_shared>>) target(%dma_start3A_30 : memref<80x128xf32, #tpu.memory_space<hbm>>) target_semaphore(%run_scoped3A_27 : memref<!tpu.dma_semaphore, #tpu.memory_space<semaphore_mem>>)
        %dma_wait3A = arith.constant 0 : i32
        %dma_wait3A_31 = arith.constant 0 : i32
        %dma_wait3A_32 = tpu.memref_slice %arg5[%arg0, %run_scoped3A_25, %dma_wait3A, %dma_wait3A_31] : memref<2x2x80x128xf32, #tpu.memory_space<hbm>> -> memref<1x1x80x128xf32, #tpu.memory_space<hbm>>
        %dma_wait3A_33 = tpu.memref_squeeze %dma_wait3A_32 : memref<1x1x80x128xf32, #tpu.memory_space<hbm>> -> memref<80x128xf32, #tpu.memory_space<hbm>>
        tpu.wait_dma2 semaphore(%run_scoped3A_27 : memref<!tpu.dma_semaphore, #tpu.memory_space<semaphore_mem>>) src(%arg11 : memref<80x128xf32, #tpu.memory_space<vmem_shared>>) dst(%dma_wait3A_33 : memref<80x128xf32, #tpu.memory_space<hbm>>)
        tpu.yield
      }) : () -> ()
      %run_scoped3A_26 = arith.constant 1 : i32
      "tpu.region"() ({
        %run_scoped3A_27 = tpu.sem_alloc : memref<!tpu.dma_semaphore, #tpu.memory_space<semaphore_mem>>
        %dma_start3A = arith.constant 0 : i32
        %dma_start3A_28 = arith.constant 0 : i32
        %dma_start3A_29 = tpu.memref_slice %arg5[%arg0, %run_scoped3A_26, %dma_start3A, %dma_start3A_28] : memref<2x2x80x128xf32, #tpu.memory_space<hbm>> -> memref<1x1x80x128xf32, #tpu.memory_space<hbm>>
        %dma_start3A_30 = tpu.memref_squeeze %dma_start3A_29 : memref<1x1x80x128xf32, #tpu.memory_space<hbm>> -> memref<80x128xf32, #tpu.memory_space<hbm>>
        tpu.enqueue_dma source(%arg12 : memref<80x128xf32, #tpu.memory_space<vmem_shared>>) target(%dma_start3A_30 : memref<80x128xf32, #tpu.memory_space<hbm>>) target_semaphore(%run_scoped3A_27 : memref<!tpu.dma_semaphore, #tpu.memory_space<semaphore_mem>>)
        %dma_wait3A = arith.constant 0 : i32
        %dma_wait3A_31 = arith.constant 0 : i32
        %dma_wait3A_32 = tpu.memref_slice %arg5[%arg0, %run_scoped3A_26, %dma_wait3A, %dma_wait3A_31] : memref<2x2x80x128xf32, #tpu.memory_space<hbm>> -> memref<1x1x80x128xf32, #tpu.memory_space<hbm>>
        %dma_wait3A_33 = tpu.memref_squeeze %dma_wait3A_32 : memref<1x1x80x128xf32, #tpu.memory_space<hbm>> -> memref<80x128xf32, #tpu.memory_space<hbm>>
        tpu.wait_dma2 semaphore(%run_scoped3A_27 : memref<!tpu.dma_semaphore, #tpu.memory_space<semaphore_mem>>) src(%arg12 : memref<80x128xf32, #tpu.memory_space<vmem_shared>>) dst(%dma_wait3A_33 : memref<80x128xf32, #tpu.memory_space<hbm>>)
        tpu.yield
      }) : () -> ()
    } else {
    }
    return
  }
}

#map = affine_map<(d0, d1) -> (0, 0)>
#map1 = affine_map<(d0, d1) -> (0, 0, 0)>
module attributes {stable_mosaic.version = 14 : i64} {
  func.func @agg_kernel(%arg0: i32, %arg1: i32, %arg2: memref<10240x128xf32, #tpu.memory_space<hbm>>, %arg3: memref<2560x128xi32, #tpu.memory_space<hbm>>, %arg4: memref<2560x128xi32, #tpu.memory_space<hbm>>, %arg5: memref<640x128xf32, #tpu.memory_space<hbm>>, %arg6: memref<2x10240x128xf32, #tpu.memory_space<hbm>>, %arg7: memref<40x128xi32, #tpu.memory_space<vmem>>, %arg8: memref<40x128xi32, #tpu.memory_space<vmem>>, %arg9: memref<128x128xf32, #tpu.memory_space<vmem>>, %arg10: memref<128x128xf32, #tpu.memory_space<vmem>>, %arg11: memref<!tpu.dma_semaphore, #tpu.memory_space<semaphore_mem>>, %arg12: memref<!tpu.dma_semaphore, #tpu.memory_space<semaphore_mem>>, %arg13: memref<10240x128xf32, #tpu.memory_space<vmem_shared>>) attributes {dimension_semantics = [#tpu.dimension_semantics<core_parallel>, #tpu.dimension_semantics<subcore_parallel>], iteration_bounds = array<i64: 2, 16>, scalar_prefetch = 0 : i64, scratch_operands = 7 : i64, tpu.core_type = #tpu.core_type<sc_vector_subcore>, window_params = [{transform_indices = #map}, {transform_indices = #map}, {transform_indices = #map}, {transform_indices = #map}, {transform_indices = #map1}]} {
    %mul3A = arith.constant 16 : i32
    %mul3A_0 = arith.muli %arg0, %mul3A : i32
    %add3A = arith.addi %mul3A_0, %arg1 : i32
    %mul3A_1 = arith.constant 80 : i32
    %mul3A_2 = arith.muli %add3A, %mul3A_1 : i32
    %multiple_of3A = tpu.assume_multiple %mul3A_2, 8 : i32
    %mul3A_3 = arith.constant 640 : i32
    %mul3A_4 = arith.muli %arg1, %mul3A_3 : i32
    %multiple_of3A_5 = tpu.assume_multiple %mul3A_4, 128 : i32
    "tpu.region"() ({
      %run_scoped3A = tpu.sem_alloc : memref<!tpu.dma_semaphore, #tpu.memory_space<semaphore_mem>>
      %dma_start3A_51 = arith.constant 0 : i32
      %dma_start3A_52 = tpu.memref_slice %arg13[%multiple_of3A_5, %dma_start3A_51] : memref<10240x128xf32, #tpu.memory_space<vmem_shared>> -> memref<640x128xf32, #tpu.memory_space<vmem_shared>>
      tpu.enqueue_dma source(%arg5 : memref<640x128xf32, #tpu.memory_space<hbm>>) target(%dma_start3A_52 : memref<640x128xf32, #tpu.memory_space<vmem_shared>>) target_semaphore(%run_scoped3A : memref<!tpu.dma_semaphore, #tpu.memory_space<semaphore_mem>>)
      %dma_wait3A = arith.constant 0 : i32
      %dma_wait3A_53 = tpu.memref_slice %arg13[%multiple_of3A_5, %dma_wait3A] : memref<10240x128xf32, #tpu.memory_space<vmem_shared>> -> memref<640x128xf32, #tpu.memory_space<vmem_shared>>
      tpu.wait_dma2 semaphore(%run_scoped3A : memref<!tpu.dma_semaphore, #tpu.memory_space<semaphore_mem>>) src(%arg5 : memref<640x128xf32, #tpu.memory_space<hbm>>) dst(%dma_wait3A_53 : memref<640x128xf32, #tpu.memory_space<vmem_shared>>)
      tpu.yield
    }) : () -> ()
    %barrier3A = arith.constant 0 : index
    tpu.barrier barrier_id(%barrier3A)
    %add3A_6 = arith.constant 0 : i32
    %add3A_7 = arith.addi %multiple_of3A, %add3A_6 : i32
    %multiple_of3A_8 = tpu.assume_multiple %add3A_7, 8 : i32
    "tpu.region"() ({
      %run_scoped3A = tpu.sem_alloc : memref<!tpu.dma_semaphore, #tpu.memory_space<semaphore_mem>>
      %dma_start3A_51 = arith.constant 0 : i32
      %dma_start3A_52 = tpu.memref_slice %arg3[%multiple_of3A_8, %dma_start3A_51] : memref<2560x128xi32, #tpu.memory_space<hbm>> -> memref<40x128xi32, #tpu.memory_space<hbm>>
      %dma_start3A_53 = arith.constant 0 : i32
      %dma_start3A_54 = tpu.memref_slice %arg3[%multiple_of3A_8, %dma_start3A_53] : memref<2560x128xi32, #tpu.memory_space<hbm>> -> memref<40x128xi32, #tpu.memory_space<hbm>>
      tpu.enqueue_dma source(%dma_start3A_54 : memref<40x128xi32, #tpu.memory_space<hbm>>) target(%arg7 : memref<40x128xi32, #tpu.memory_space<vmem>>) target_semaphore(%run_scoped3A : memref<!tpu.dma_semaphore, #tpu.memory_space<semaphore_mem>>)
      %dma_wait3A = arith.constant 0 : i32
      %dma_wait3A_55 = tpu.memref_slice %arg3[%multiple_of3A_8, %dma_wait3A] : memref<2560x128xi32, #tpu.memory_space<hbm>> -> memref<40x128xi32, #tpu.memory_space<hbm>>
      %dma_wait3A_56 = arith.constant 0 : i32
      %dma_wait3A_57 = tpu.memref_slice %arg3[%multiple_of3A_8, %dma_wait3A_56] : memref<2560x128xi32, #tpu.memory_space<hbm>> -> memref<40x128xi32, #tpu.memory_space<hbm>>
      tpu.wait_dma2 semaphore(%run_scoped3A : memref<!tpu.dma_semaphore, #tpu.memory_space<semaphore_mem>>) src(%dma_wait3A_57 : memref<40x128xi32, #tpu.memory_space<hbm>>) dst(%arg7 : memref<40x128xi32, #tpu.memory_space<vmem>>)
      tpu.yield
    }) : () -> ()
    "tpu.region"() ({
      %run_scoped3A = tpu.sem_alloc : memref<!tpu.dma_semaphore, #tpu.memory_space<semaphore_mem>>
      %dma_start3A_51 = arith.constant 0 : i32
      %dma_start3A_52 = tpu.memref_slice %arg4[%multiple_of3A_8, %dma_start3A_51] : memref<2560x128xi32, #tpu.memory_space<hbm>> -> memref<40x128xi32, #tpu.memory_space<hbm>>
      %dma_start3A_53 = arith.constant 0 : i32
      %dma_start3A_54 = tpu.memref_slice %arg4[%multiple_of3A_8, %dma_start3A_53] : memref<2560x128xi32, #tpu.memory_space<hbm>> -> memref<40x128xi32, #tpu.memory_space<hbm>>
      tpu.enqueue_dma source(%dma_start3A_54 : memref<40x128xi32, #tpu.memory_space<hbm>>) target(%arg8 : memref<40x128xi32, #tpu.memory_space<vmem>>) target_semaphore(%run_scoped3A : memref<!tpu.dma_semaphore, #tpu.memory_space<semaphore_mem>>)
      %dma_wait3A = arith.constant 0 : i32
      %dma_wait3A_55 = tpu.memref_slice %arg4[%multiple_of3A_8, %dma_wait3A] : memref<2560x128xi32, #tpu.memory_space<hbm>> -> memref<40x128xi32, #tpu.memory_space<hbm>>
      %dma_wait3A_56 = arith.constant 0 : i32
      %dma_wait3A_57 = tpu.memref_slice %arg4[%multiple_of3A_8, %dma_wait3A_56] : memref<2560x128xi32, #tpu.memory_space<hbm>> -> memref<40x128xi32, #tpu.memory_space<hbm>>
      tpu.wait_dma2 semaphore(%run_scoped3A : memref<!tpu.dma_semaphore, #tpu.memory_space<semaphore_mem>>) src(%dma_wait3A_57 : memref<40x128xi32, #tpu.memory_space<hbm>>) dst(%arg8 : memref<40x128xi32, #tpu.memory_space<vmem>>)
      tpu.yield
    }) : () -> ()
    %dma_start3A = arith.constant 0 : i32
    %dma_start3A_9 = arith.constant 0 : i32
    %dma_start3A_10 = tpu.memref_slice %arg7[%dma_start3A, %dma_start3A_9] : memref<40x128xi32, #tpu.memory_space<vmem>> -> memref<1x128xi32, #tpu.memory_space<vmem>>
    %dma_start3A_11 = tpu.memref_squeeze %dma_start3A_10 : memref<1x128xi32, #tpu.memory_space<vmem>> -> memref<128xi32, #tpu.memory_space<vmem>>
    %dma_start3A_12 = arith.constant 0 : i32
    %dma_start3A_13 = arith.constant 0 : i32
    %dma_start3A_14 = tpu.memref_slice %arg2[%dma_start3A_12, %dma_start3A_13] : memref<10240x128xf32, #tpu.memory_space<hbm>> -> memref<10240x128xf32, #tpu.memory_space<hbm>>
    tpu.enqueue_indirect_dma source(%dma_start3A_14 : memref<10240x128xf32, #tpu.memory_space<hbm>>) target(%arg9 : memref<128x128xf32, #tpu.memory_space<vmem>>) offsets(%dma_start3A_11 : memref<128xi32, #tpu.memory_space<vmem>>) semaphore(%arg11 : memref<!tpu.dma_semaphore, #tpu.memory_space<semaphore_mem>>)
    %dma_start3A_15 = arith.constant 1 : i32
    %dma_start3A_16 = arith.constant 0 : i32
    %dma_start3A_17 = tpu.memref_slice %arg7[%dma_start3A_15, %dma_start3A_16] : memref<40x128xi32, #tpu.memory_space<vmem>> -> memref<1x128xi32, #tpu.memory_space<vmem>>
    %dma_start3A_18 = tpu.memref_squeeze %dma_start3A_17 : memref<1x128xi32, #tpu.memory_space<vmem>> -> memref<128xi32, #tpu.memory_space<vmem>>
    %dma_start3A_19 = arith.constant 0 : i32
    %dma_start3A_20 = arith.constant 0 : i32
    %dma_start3A_21 = tpu.memref_slice %arg2[%dma_start3A_19, %dma_start3A_20] : memref<10240x128xf32, #tpu.memory_space<hbm>> -> memref<10240x128xf32, #tpu.memory_space<hbm>>
    tpu.enqueue_indirect_dma source(%dma_start3A_21 : memref<10240x128xf32, #tpu.memory_space<hbm>>) target(%arg10 : memref<128x128xf32, #tpu.memory_space<vmem>>) offsets(%dma_start3A_18 : memref<128xi32, #tpu.memory_space<vmem>>) semaphore(%arg12 : memref<!tpu.dma_semaphore, #tpu.memory_space<semaphore_mem>>)
    %scan3A = arith.constant 0 : i32
    %scan3A_22 = arith.constant 0 : i32
    %scan3A_23 = arith.constant 20 : i32
    %scan3A_24 = arith.addi %scan3A_22, %scan3A_23 : i32
    %scan3A_25 = arith.constant 1 : i32
    scf.for %scan3A_51 = %scan3A_22 to %scan3A_24 step %scan3A_25  : i32 {
      %mul3A_52 = arith.constant 2 : i32
      %mul3A_53 = arith.muli %scan3A_51, %mul3A_52 : i32
      %add3A_54 = arith.constant 0 : i32
      %add3A_55 = arith.addi %mul3A_53, %add3A_54 : i32
      %dma_wait3A = arith.constant 0 : i32
      %dma_wait3A_56 = tpu.memref_slice %arg7[%add3A_55, %dma_wait3A] : memref<40x128xi32, #tpu.memory_space<vmem>> -> memref<1x128xi32, #tpu.memory_space<vmem>>
      %dma_wait3A_57 = tpu.memref_squeeze %dma_wait3A_56 : memref<1x128xi32, #tpu.memory_space<vmem>> -> memref<128xi32, #tpu.memory_space<vmem>>
      %dma_wait3A_58 = arith.constant 0 : i32
      %dma_wait3A_59 = arith.constant 0 : i32
      %dma_wait3A_60 = tpu.memref_slice %arg2[%dma_wait3A_58, %dma_wait3A_59] : memref<10240x128xf32, #tpu.memory_space<hbm>> -> memref<10240x128xf32, #tpu.memory_space<hbm>>
      tpu.wait_indirect_dma semaphore(%arg11 : memref<!tpu.dma_semaphore, #tpu.memory_space<semaphore_mem>>) src(%dma_wait3A_60 : memref<10240x128xf32, #tpu.memory_space<hbm>>) dst(%arg9 : memref<128x128xf32, #tpu.memory_space<vmem>>)
      "tpu.region"() ({
        %run_scoped3A = tpu.sem_alloc : memref<!tpu.dma_semaphore, #tpu.memory_space<semaphore_mem>>
        %dma_start3A_82 = arith.constant 0 : i32
        %dma_start3A_83 = tpu.memref_slice %arg8[%add3A_55, %dma_start3A_82] : memref<40x128xi32, #tpu.memory_space<vmem>> -> memref<1x128xi32, #tpu.memory_space<vmem>>
        %dma_start3A_84 = tpu.memref_squeeze %dma_start3A_83 : memref<1x128xi32, #tpu.memory_space<vmem>> -> memref<128xi32, #tpu.memory_space<vmem>>
        %dma_start3A_85 = arith.constant 0 : i32
        %dma_start3A_86 = arith.constant 0 : i32
        %dma_start3A_87 = tpu.memref_slice %arg13[%dma_start3A_85, %dma_start3A_86] : memref<10240x128xf32, #tpu.memory_space<vmem_shared>> -> memref<10240x128xf32, #tpu.memory_space<vmem_shared>>
        tpu.enqueue_indirect_dma source(%arg9 : memref<128x128xf32, #tpu.memory_space<vmem>>) target(%dma_start3A_87 : memref<10240x128xf32, #tpu.memory_space<vmem_shared>>) offsets(%dma_start3A_84 : memref<128xi32, #tpu.memory_space<vmem>>) semaphore(%run_scoped3A : memref<!tpu.dma_semaphore, #tpu.memory_space<semaphore_mem>>) {add = true}
        %dma_wait3A_88 = arith.constant 0 : i32
        %dma_wait3A_89 = tpu.memref_slice %arg8[%add3A_55, %dma_wait3A_88] : memref<40x128xi32, #tpu.memory_space<vmem>> -> memref<1x128xi32, #tpu.memory_space<vmem>>
        %dma_wait3A_90 = tpu.memref_squeeze %dma_wait3A_89 : memref<1x128xi32, #tpu.memory_space<vmem>> -> memref<128xi32, #tpu.memory_space<vmem>>
        %dma_wait3A_91 = arith.constant 0 : i32
        %dma_wait3A_92 = arith.constant 0 : i32
        %dma_wait3A_93 = tpu.memref_slice %arg13[%dma_wait3A_91, %dma_wait3A_92] : memref<10240x128xf32, #tpu.memory_space<vmem_shared>> -> memref<10240x128xf32, #tpu.memory_space<vmem_shared>>
        tpu.wait_indirect_dma semaphore(%run_scoped3A : memref<!tpu.dma_semaphore, #tpu.memory_space<semaphore_mem>>) src(%arg9 : memref<128x128xf32, #tpu.memory_space<vmem>>) dst(%dma_wait3A_93 : memref<10240x128xf32, #tpu.memory_space<vmem_shared>>)
        tpu.yield
      }) : () -> ()
      %add3A_61 = arith.constant 2 : i32
      %add3A_62 = arith.addi %add3A_55, %add3A_61 : i32
      %lt3A = arith.constant 40 : i32
      %lt3A_63 = arith.cmpi slt, %add3A_62, %lt3A : i32
      %convert_element_type3A = arith.extui %lt3A_63 : i1 to i32
      %cond3A = arith.constant 0 : i32
      %cond3A_64 = arith.cmpi ne, %convert_element_type3A, %cond3A : i32
      scf.if %cond3A_64 {
        %add3A_82 = arith.constant 2 : i32
        %add3A_83 = arith.addi %add3A_55, %add3A_82 : i32
        %dma_start3A_84 = arith.constant 0 : i32
        %dma_start3A_85 = tpu.memref_slice %arg7[%add3A_83, %dma_start3A_84] : memref<40x128xi32, #tpu.memory_space<vmem>> -> memref<1x128xi32, #tpu.memory_space<vmem>>
        %dma_start3A_86 = tpu.memref_squeeze %dma_start3A_85 : memref<1x128xi32, #tpu.memory_space<vmem>> -> memref<128xi32, #tpu.memory_space<vmem>>
        %dma_start3A_87 = arith.constant 0 : i32
        %dma_start3A_88 = arith.constant 0 : i32
        %dma_start3A_89 = tpu.memref_slice %arg2[%dma_start3A_87, %dma_start3A_88] : memref<10240x128xf32, #tpu.memory_space<hbm>> -> memref<10240x128xf32, #tpu.memory_space<hbm>>
        tpu.enqueue_indirect_dma source(%dma_start3A_89 : memref<10240x128xf32, #tpu.memory_space<hbm>>) target(%arg9 : memref<128x128xf32, #tpu.memory_space<vmem>>) offsets(%dma_start3A_86 : memref<128xi32, #tpu.memory_space<vmem>>) semaphore(%arg11 : memref<!tpu.dma_semaphore, #tpu.memory_space<semaphore_mem>>)
      } else {
      }
      %mul3A_65 = arith.constant 2 : i32
      %mul3A_66 = arith.muli %scan3A_51, %mul3A_65 : i32
      %add3A_67 = arith.constant 1 : i32
      %add3A_68 = arith.addi %mul3A_66, %add3A_67 : i32
      %dma_wait3A_69 = arith.constant 0 : i32
      %dma_wait3A_70 = tpu.memref_slice %arg7[%add3A_68, %dma_wait3A_69] : memref<40x128xi32, #tpu.memory_space<vmem>> -> memref<1x128xi32, #tpu.memory_space<vmem>>
      %dma_wait3A_71 = tpu.memref_squeeze %dma_wait3A_70 : memref<1x128xi32, #tpu.memory_space<vmem>> -> memref<128xi32, #tpu.memory_space<vmem>>
      %dma_wait3A_72 = arith.constant 0 : i32
      %dma_wait3A_73 = arith.constant 0 : i32
      %dma_wait3A_74 = tpu.memref_slice %arg2[%dma_wait3A_72, %dma_wait3A_73] : memref<10240x128xf32, #tpu.memory_space<hbm>> -> memref<10240x128xf32, #tpu.memory_space<hbm>>
      tpu.wait_indirect_dma semaphore(%arg12 : memref<!tpu.dma_semaphore, #tpu.memory_space<semaphore_mem>>) src(%dma_wait3A_74 : memref<10240x128xf32, #tpu.memory_space<hbm>>) dst(%arg10 : memref<128x128xf32, #tpu.memory_space<vmem>>)
      "tpu.region"() ({
        %run_scoped3A = tpu.sem_alloc : memref<!tpu.dma_semaphore, #tpu.memory_space<semaphore_mem>>
        %dma_start3A_82 = arith.constant 0 : i32
        %dma_start3A_83 = tpu.memref_slice %arg8[%add3A_68, %dma_start3A_82] : memref<40x128xi32, #tpu.memory_space<vmem>> -> memref<1x128xi32, #tpu.memory_space<vmem>>
        %dma_start3A_84 = tpu.memref_squeeze %dma_start3A_83 : memref<1x128xi32, #tpu.memory_space<vmem>> -> memref<128xi32, #tpu.memory_space<vmem>>
        %dma_start3A_85 = arith.constant 0 : i32
        %dma_start3A_86 = arith.constant 0 : i32
        %dma_start3A_87 = tpu.memref_slice %arg13[%dma_start3A_85, %dma_start3A_86] : memref<10240x128xf32, #tpu.memory_space<vmem_shared>> -> memref<10240x128xf32, #tpu.memory_space<vmem_shared>>
        tpu.enqueue_indirect_dma source(%arg10 : memref<128x128xf32, #tpu.memory_space<vmem>>) target(%dma_start3A_87 : memref<10240x128xf32, #tpu.memory_space<vmem_shared>>) offsets(%dma_start3A_84 : memref<128xi32, #tpu.memory_space<vmem>>) semaphore(%run_scoped3A : memref<!tpu.dma_semaphore, #tpu.memory_space<semaphore_mem>>) {add = true}
        %dma_wait3A_88 = arith.constant 0 : i32
        %dma_wait3A_89 = tpu.memref_slice %arg8[%add3A_68, %dma_wait3A_88] : memref<40x128xi32, #tpu.memory_space<vmem>> -> memref<1x128xi32, #tpu.memory_space<vmem>>
        %dma_wait3A_90 = tpu.memref_squeeze %dma_wait3A_89 : memref<1x128xi32, #tpu.memory_space<vmem>> -> memref<128xi32, #tpu.memory_space<vmem>>
        %dma_wait3A_91 = arith.constant 0 : i32
        %dma_wait3A_92 = arith.constant 0 : i32
        %dma_wait3A_93 = tpu.memref_slice %arg13[%dma_wait3A_91, %dma_wait3A_92] : memref<10240x128xf32, #tpu.memory_space<vmem_shared>> -> memref<10240x128xf32, #tpu.memory_space<vmem_shared>>
        tpu.wait_indirect_dma semaphore(%run_scoped3A : memref<!tpu.dma_semaphore, #tpu.memory_space<semaphore_mem>>) src(%arg10 : memref<128x128xf32, #tpu.memory_space<vmem>>) dst(%dma_wait3A_93 : memref<10240x128xf32, #tpu.memory_space<vmem_shared>>)
        tpu.yield
      }) : () -> ()
      %add3A_75 = arith.constant 2 : i32
      %add3A_76 = arith.addi %add3A_68, %add3A_75 : i32
      %lt3A_77 = arith.constant 40 : i32
      %lt3A_78 = arith.cmpi slt, %add3A_76, %lt3A_77 : i32
      %convert_element_type3A_79 = arith.extui %lt3A_78 : i1 to i32
      %cond3A_80 = arith.constant 0 : i32
      %cond3A_81 = arith.cmpi ne, %convert_element_type3A_79, %cond3A_80 : i32
      scf.if %cond3A_81 {
        %add3A_82 = arith.constant 2 : i32
        %add3A_83 = arith.addi %add3A_68, %add3A_82 : i32
        %dma_start3A_84 = arith.constant 0 : i32
        %dma_start3A_85 = tpu.memref_slice %arg7[%add3A_83, %dma_start3A_84] : memref<40x128xi32, #tpu.memory_space<vmem>> -> memref<1x128xi32, #tpu.memory_space<vmem>>
        %dma_start3A_86 = tpu.memref_squeeze %dma_start3A_85 : memref<1x128xi32, #tpu.memory_space<vmem>> -> memref<128xi32, #tpu.memory_space<vmem>>
        %dma_start3A_87 = arith.constant 0 : i32
        %dma_start3A_88 = arith.constant 0 : i32
        %dma_start3A_89 = tpu.memref_slice %arg2[%dma_start3A_87, %dma_start3A_88] : memref<10240x128xf32, #tpu.memory_space<hbm>> -> memref<10240x128xf32, #tpu.memory_space<hbm>>
        tpu.enqueue_indirect_dma source(%dma_start3A_89 : memref<10240x128xf32, #tpu.memory_space<hbm>>) target(%arg10 : memref<128x128xf32, #tpu.memory_space<vmem>>) offsets(%dma_start3A_86 : memref<128xi32, #tpu.memory_space<vmem>>) semaphore(%arg12 : memref<!tpu.dma_semaphore, #tpu.memory_space<semaphore_mem>>)
      } else {
      }
    }
    %scan3A_26 = arith.constant 20 : i32
    %add3A_27 = arith.constant 40 : i32
    %add3A_28 = arith.addi %multiple_of3A, %add3A_27 : i32
    %multiple_of3A_29 = tpu.assume_multiple %add3A_28, 8 : i32
    "tpu.region"() ({
      %run_scoped3A = tpu.sem_alloc : memref<!tpu.dma_semaphore, #tpu.memory_space<semaphore_mem>>
      %dma_start3A_51 = arith.constant 0 : i32
      %dma_start3A_52 = tpu.memref_slice %arg3[%multiple_of3A_29, %dma_start3A_51] : memref<2560x128xi32, #tpu.memory_space<hbm>> -> memref<40x128xi32, #tpu.memory_space<hbm>>
      %dma_start3A_53 = arith.constant 0 : i32
      %dma_start3A_54 = tpu.memref_slice %arg3[%multiple_of3A_29, %dma_start3A_53] : memref<2560x128xi32, #tpu.memory_space<hbm>> -> memref<40x128xi32, #tpu.memory_space<hbm>>
      tpu.enqueue_dma source(%dma_start3A_54 : memref<40x128xi32, #tpu.memory_space<hbm>>) target(%arg7 : memref<40x128xi32, #tpu.memory_space<vmem>>) target_semaphore(%run_scoped3A : memref<!tpu.dma_semaphore, #tpu.memory_space<semaphore_mem>>)
      %dma_wait3A = arith.constant 0 : i32
      %dma_wait3A_55 = tpu.memref_slice %arg3[%multiple_of3A_29, %dma_wait3A] : memref<2560x128xi32, #tpu.memory_space<hbm>> -> memref<40x128xi32, #tpu.memory_space<hbm>>
      %dma_wait3A_56 = arith.constant 0 : i32
      %dma_wait3A_57 = tpu.memref_slice %arg3[%multiple_of3A_29, %dma_wait3A_56] : memref<2560x128xi32, #tpu.memory_space<hbm>> -> memref<40x128xi32, #tpu.memory_space<hbm>>
      tpu.wait_dma2 semaphore(%run_scoped3A : memref<!tpu.dma_semaphore, #tpu.memory_space<semaphore_mem>>) src(%dma_wait3A_57 : memref<40x128xi32, #tpu.memory_space<hbm>>) dst(%arg7 : memref<40x128xi32, #tpu.memory_space<vmem>>)
      tpu.yield
    }) : () -> ()
    "tpu.region"() ({
      %run_scoped3A = tpu.sem_alloc : memref<!tpu.dma_semaphore, #tpu.memory_space<semaphore_mem>>
      %dma_start3A_51 = arith.constant 0 : i32
      %dma_start3A_52 = tpu.memref_slice %arg4[%multiple_of3A_29, %dma_start3A_51] : memref<2560x128xi32, #tpu.memory_space<hbm>> -> memref<40x128xi32, #tpu.memory_space<hbm>>
      %dma_start3A_53 = arith.constant 0 : i32
      %dma_start3A_54 = tpu.memref_slice %arg4[%multiple_of3A_29, %dma_start3A_53] : memref<2560x128xi32, #tpu.memory_space<hbm>> -> memref<40x128xi32, #tpu.memory_space<hbm>>
      tpu.enqueue_dma source(%dma_start3A_54 : memref<40x128xi32, #tpu.memory_space<hbm>>) target(%arg8 : memref<40x128xi32, #tpu.memory_space<vmem>>) target_semaphore(%run_scoped3A : memref<!tpu.dma_semaphore, #tpu.memory_space<semaphore_mem>>)
      %dma_wait3A = arith.constant 0 : i32
      %dma_wait3A_55 = tpu.memref_slice %arg4[%multiple_of3A_29, %dma_wait3A] : memref<2560x128xi32, #tpu.memory_space<hbm>> -> memref<40x128xi32, #tpu.memory_space<hbm>>
      %dma_wait3A_56 = arith.constant 0 : i32
      %dma_wait3A_57 = tpu.memref_slice %arg4[%multiple_of3A_29, %dma_wait3A_56] : memref<2560x128xi32, #tpu.memory_space<hbm>> -> memref<40x128xi32, #tpu.memory_space<hbm>>
      tpu.wait_dma2 semaphore(%run_scoped3A : memref<!tpu.dma_semaphore, #tpu.memory_space<semaphore_mem>>) src(%dma_wait3A_57 : memref<40x128xi32, #tpu.memory_space<hbm>>) dst(%arg8 : memref<40x128xi32, #tpu.memory_space<vmem>>)
      tpu.yield
    }) : () -> ()
    %dma_start3A_30 = arith.constant 0 : i32
    %dma_start3A_31 = arith.constant 0 : i32
    %dma_start3A_32 = tpu.memref_slice %arg7[%dma_start3A_30, %dma_start3A_31] : memref<40x128xi32, #tpu.memory_space<vmem>> -> memref<1x128xi32, #tpu.memory_space<vmem>>
    %dma_start3A_33 = tpu.memref_squeeze %dma_start3A_32 : memref<1x128xi32, #tpu.memory_space<vmem>> -> memref<128xi32, #tpu.memory_space<vmem>>
    %dma_start3A_34 = arith.constant 0 : i32
    %dma_start3A_35 = arith.constant 0 : i32
    %dma_start3A_36 = tpu.memref_slice %arg2[%dma_start3A_34, %dma_start3A_35] : memref<10240x128xf32, #tpu.memory_space<hbm>> -> memref<10240x128xf32, #tpu.memory_space<hbm>>
    tpu.enqueue_indirect_dma source(%dma_start3A_36 : memref<10240x128xf32, #tpu.memory_space<hbm>>) target(%arg9 : memref<128x128xf32, #tpu.memory_space<vmem>>) offsets(%dma_start3A_33 : memref<128xi32, #tpu.memory_space<vmem>>) semaphore(%arg11 : memref<!tpu.dma_semaphore, #tpu.memory_space<semaphore_mem>>)
    %dma_start3A_37 = arith.constant 1 : i32
    %dma_start3A_38 = arith.constant 0 : i32
    %dma_start3A_39 = tpu.memref_slice %arg7[%dma_start3A_37, %dma_start3A_38] : memref<40x128xi32, #tpu.memory_space<vmem>> -> memref<1x128xi32, #tpu.memory_space<vmem>>
    %dma_start3A_40 = tpu.memref_squeeze %dma_start3A_39 : memref<1x128xi32, #tpu.memory_space<vmem>> -> memref<128xi32, #tpu.memory_space<vmem>>
    %dma_start3A_41 = arith.constant 0 : i32
    %dma_start3A_42 = arith.constant 0 : i32
    %dma_start3A_43 = tpu.memref_slice %arg2[%dma_start3A_41, %dma_start3A_42] : memref<10240x128xf32, #tpu.memory_space<hbm>> -> memref<10240x128xf32, #tpu.memory_space<hbm>>
    tpu.enqueue_indirect_dma source(%dma_start3A_43 : memref<10240x128xf32, #tpu.memory_space<hbm>>) target(%arg10 : memref<128x128xf32, #tpu.memory_space<vmem>>) offsets(%dma_start3A_40 : memref<128xi32, #tpu.memory_space<vmem>>) semaphore(%arg12 : memref<!tpu.dma_semaphore, #tpu.memory_space<semaphore_mem>>)
    %scan3A_44 = arith.constant 0 : i32
    %scan3A_45 = arith.constant 0 : i32
    %scan3A_46 = arith.constant 20 : i32
    %scan3A_47 = arith.addi %scan3A_45, %scan3A_46 : i32
    %scan3A_48 = arith.constant 1 : i32
    scf.for %scan3A_51 = %scan3A_45 to %scan3A_47 step %scan3A_48  : i32 {
      %mul3A_52 = arith.constant 2 : i32
      %mul3A_53 = arith.muli %scan3A_51, %mul3A_52 : i32
      %add3A_54 = arith.constant 0 : i32
      %add3A_55 = arith.addi %mul3A_53, %add3A_54 : i32
      %dma_wait3A = arith.constant 0 : i32
      %dma_wait3A_56 = tpu.memref_slice %arg7[%add3A_55, %dma_wait3A] : memref<40x128xi32, #tpu.memory_space<vmem>> -> memref<1x128xi32, #tpu.memory_space<vmem>>
      %dma_wait3A_57 = tpu.memref_squeeze %dma_wait3A_56 : memref<1x128xi32, #tpu.memory_space<vmem>> -> memref<128xi32, #tpu.memory_space<vmem>>
      %dma_wait3A_58 = arith.constant 0 : i32
      %dma_wait3A_59 = arith.constant 0 : i32
      %dma_wait3A_60 = tpu.memref_slice %arg2[%dma_wait3A_58, %dma_wait3A_59] : memref<10240x128xf32, #tpu.memory_space<hbm>> -> memref<10240x128xf32, #tpu.memory_space<hbm>>
      tpu.wait_indirect_dma semaphore(%arg11 : memref<!tpu.dma_semaphore, #tpu.memory_space<semaphore_mem>>) src(%dma_wait3A_60 : memref<10240x128xf32, #tpu.memory_space<hbm>>) dst(%arg9 : memref<128x128xf32, #tpu.memory_space<vmem>>)
      "tpu.region"() ({
        %run_scoped3A = tpu.sem_alloc : memref<!tpu.dma_semaphore, #tpu.memory_space<semaphore_mem>>
        %dma_start3A_82 = arith.constant 0 : i32
        %dma_start3A_83 = tpu.memref_slice %arg8[%add3A_55, %dma_start3A_82] : memref<40x128xi32, #tpu.memory_space<vmem>> -> memref<1x128xi32, #tpu.memory_space<vmem>>
        %dma_start3A_84 = tpu.memref_squeeze %dma_start3A_83 : memref<1x128xi32, #tpu.memory_space<vmem>> -> memref<128xi32, #tpu.memory_space<vmem>>
        %dma_start3A_85 = arith.constant 0 : i32
        %dma_start3A_86 = arith.constant 0 : i32
        %dma_start3A_87 = tpu.memref_slice %arg13[%dma_start3A_85, %dma_start3A_86] : memref<10240x128xf32, #tpu.memory_space<vmem_shared>> -> memref<10240x128xf32, #tpu.memory_space<vmem_shared>>
        tpu.enqueue_indirect_dma source(%arg9 : memref<128x128xf32, #tpu.memory_space<vmem>>) target(%dma_start3A_87 : memref<10240x128xf32, #tpu.memory_space<vmem_shared>>) offsets(%dma_start3A_84 : memref<128xi32, #tpu.memory_space<vmem>>) semaphore(%run_scoped3A : memref<!tpu.dma_semaphore, #tpu.memory_space<semaphore_mem>>) {add = true}
        %dma_wait3A_88 = arith.constant 0 : i32
        %dma_wait3A_89 = tpu.memref_slice %arg8[%add3A_55, %dma_wait3A_88] : memref<40x128xi32, #tpu.memory_space<vmem>> -> memref<1x128xi32, #tpu.memory_space<vmem>>
        %dma_wait3A_90 = tpu.memref_squeeze %dma_wait3A_89 : memref<1x128xi32, #tpu.memory_space<vmem>> -> memref<128xi32, #tpu.memory_space<vmem>>
        %dma_wait3A_91 = arith.constant 0 : i32
        %dma_wait3A_92 = arith.constant 0 : i32
        %dma_wait3A_93 = tpu.memref_slice %arg13[%dma_wait3A_91, %dma_wait3A_92] : memref<10240x128xf32, #tpu.memory_space<vmem_shared>> -> memref<10240x128xf32, #tpu.memory_space<vmem_shared>>
        tpu.wait_indirect_dma semaphore(%run_scoped3A : memref<!tpu.dma_semaphore, #tpu.memory_space<semaphore_mem>>) src(%arg9 : memref<128x128xf32, #tpu.memory_space<vmem>>) dst(%dma_wait3A_93 : memref<10240x128xf32, #tpu.memory_space<vmem_shared>>)
        tpu.yield
      }) : () -> ()
      %add3A_61 = arith.constant 2 : i32
      %add3A_62 = arith.addi %add3A_55, %add3A_61 : i32
      %lt3A = arith.constant 40 : i32
      %lt3A_63 = arith.cmpi slt, %add3A_62, %lt3A : i32
      %convert_element_type3A = arith.extui %lt3A_63 : i1 to i32
      %cond3A = arith.constant 0 : i32
      %cond3A_64 = arith.cmpi ne, %convert_element_type3A, %cond3A : i32
      scf.if %cond3A_64 {
        %add3A_82 = arith.constant 2 : i32
        %add3A_83 = arith.addi %add3A_55, %add3A_82 : i32
        %dma_start3A_84 = arith.constant 0 : i32
        %dma_start3A_85 = tpu.memref_slice %arg7[%add3A_83, %dma_start3A_84] : memref<40x128xi32, #tpu.memory_space<vmem>> -> memref<1x128xi32, #tpu.memory_space<vmem>>
        %dma_start3A_86 = tpu.memref_squeeze %dma_start3A_85 : memref<1x128xi32, #tpu.memory_space<vmem>> -> memref<128xi32, #tpu.memory_space<vmem>>
        %dma_start3A_87 = arith.constant 0 : i32
        %dma_start3A_88 = arith.constant 0 : i32
        %dma_start3A_89 = tpu.memref_slice %arg2[%dma_start3A_87, %dma_start3A_88] : memref<10240x128xf32, #tpu.memory_space<hbm>> -> memref<10240x128xf32, #tpu.memory_space<hbm>>
        tpu.enqueue_indirect_dma source(%dma_start3A_89 : memref<10240x128xf32, #tpu.memory_space<hbm>>) target(%arg9 : memref<128x128xf32, #tpu.memory_space<vmem>>) offsets(%dma_start3A_86 : memref<128xi32, #tpu.memory_space<vmem>>) semaphore(%arg11 : memref<!tpu.dma_semaphore, #tpu.memory_space<semaphore_mem>>)
      } else {
      }
      %mul3A_65 = arith.constant 2 : i32
      %mul3A_66 = arith.muli %scan3A_51, %mul3A_65 : i32
      %add3A_67 = arith.constant 1 : i32
      %add3A_68 = arith.addi %mul3A_66, %add3A_67 : i32
      %dma_wait3A_69 = arith.constant 0 : i32
      %dma_wait3A_70 = tpu.memref_slice %arg7[%add3A_68, %dma_wait3A_69] : memref<40x128xi32, #tpu.memory_space<vmem>> -> memref<1x128xi32, #tpu.memory_space<vmem>>
      %dma_wait3A_71 = tpu.memref_squeeze %dma_wait3A_70 : memref<1x128xi32, #tpu.memory_space<vmem>> -> memref<128xi32, #tpu.memory_space<vmem>>
      %dma_wait3A_72 = arith.constant 0 : i32
      %dma_wait3A_73 = arith.constant 0 : i32
      %dma_wait3A_74 = tpu.memref_slice %arg2[%dma_wait3A_72, %dma_wait3A_73] : memref<10240x128xf32, #tpu.memory_space<hbm>> -> memref<10240x128xf32, #tpu.memory_space<hbm>>
      tpu.wait_indirect_dma semaphore(%arg12 : memref<!tpu.dma_semaphore, #tpu.memory_space<semaphore_mem>>) src(%dma_wait3A_74 : memref<10240x128xf32, #tpu.memory_space<hbm>>) dst(%arg10 : memref<128x128xf32, #tpu.memory_space<vmem>>)
      "tpu.region"() ({
        %run_scoped3A = tpu.sem_alloc : memref<!tpu.dma_semaphore, #tpu.memory_space<semaphore_mem>>
        %dma_start3A_82 = arith.constant 0 : i32
        %dma_start3A_83 = tpu.memref_slice %arg8[%add3A_68, %dma_start3A_82] : memref<40x128xi32, #tpu.memory_space<vmem>> -> memref<1x128xi32, #tpu.memory_space<vmem>>
        %dma_start3A_84 = tpu.memref_squeeze %dma_start3A_83 : memref<1x128xi32, #tpu.memory_space<vmem>> -> memref<128xi32, #tpu.memory_space<vmem>>
        %dma_start3A_85 = arith.constant 0 : i32
        %dma_start3A_86 = arith.constant 0 : i32
        %dma_start3A_87 = tpu.memref_slice %arg13[%dma_start3A_85, %dma_start3A_86] : memref<10240x128xf32, #tpu.memory_space<vmem_shared>> -> memref<10240x128xf32, #tpu.memory_space<vmem_shared>>
        tpu.enqueue_indirect_dma source(%arg10 : memref<128x128xf32, #tpu.memory_space<vmem>>) target(%dma_start3A_87 : memref<10240x128xf32, #tpu.memory_space<vmem_shared>>) offsets(%dma_start3A_84 : memref<128xi32, #tpu.memory_space<vmem>>) semaphore(%run_scoped3A : memref<!tpu.dma_semaphore, #tpu.memory_space<semaphore_mem>>) {add = true}
        %dma_wait3A_88 = arith.constant 0 : i32
        %dma_wait3A_89 = tpu.memref_slice %arg8[%add3A_68, %dma_wait3A_88] : memref<40x128xi32, #tpu.memory_space<vmem>> -> memref<1x128xi32, #tpu.memory_space<vmem>>
        %dma_wait3A_90 = tpu.memref_squeeze %dma_wait3A_89 : memref<1x128xi32, #tpu.memory_space<vmem>> -> memref<128xi32, #tpu.memory_space<vmem>>
        %dma_wait3A_91 = arith.constant 0 : i32
        %dma_wait3A_92 = arith.constant 0 : i32
        %dma_wait3A_93 = tpu.memref_slice %arg13[%dma_wait3A_91, %dma_wait3A_92] : memref<10240x128xf32, #tpu.memory_space<vmem_shared>> -> memref<10240x128xf32, #tpu.memory_space<vmem_shared>>
        tpu.wait_indirect_dma semaphore(%run_scoped3A : memref<!tpu.dma_semaphore, #tpu.memory_space<semaphore_mem>>) src(%arg10 : memref<128x128xf32, #tpu.memory_space<vmem>>) dst(%dma_wait3A_93 : memref<10240x128xf32, #tpu.memory_space<vmem_shared>>)
        tpu.yield
      }) : () -> ()
      %add3A_75 = arith.constant 2 : i32
      %add3A_76 = arith.addi %add3A_68, %add3A_75 : i32
      %lt3A_77 = arith.constant 40 : i32
      %lt3A_78 = arith.cmpi slt, %add3A_76, %lt3A_77 : i32
      %convert_element_type3A_79 = arith.extui %lt3A_78 : i1 to i32
      %cond3A_80 = arith.constant 0 : i32
      %cond3A_81 = arith.cmpi ne, %convert_element_type3A_79, %cond3A_80 : i32
      scf.if %cond3A_81 {
        %add3A_82 = arith.constant 2 : i32
        %add3A_83 = arith.addi %add3A_68, %add3A_82 : i32
        %dma_start3A_84 = arith.constant 0 : i32
        %dma_start3A_85 = tpu.memref_slice %arg7[%add3A_83, %dma_start3A_84] : memref<40x128xi32, #tpu.memory_space<vmem>> -> memref<1x128xi32, #tpu.memory_space<vmem>>
        %dma_start3A_86 = tpu.memref_squeeze %dma_start3A_85 : memref<1x128xi32, #tpu.memory_space<vmem>> -> memref<128xi32, #tpu.memory_space<vmem>>
        %dma_start3A_87 = arith.constant 0 : i32
        %dma_start3A_88 = arith.constant 0 : i32
        %dma_start3A_89 = tpu.memref_slice %arg2[%dma_start3A_87, %dma_start3A_88] : memref<10240x128xf32, #tpu.memory_space<hbm>> -> memref<10240x128xf32, #tpu.memory_space<hbm>>
        tpu.enqueue_indirect_dma source(%dma_start3A_89 : memref<10240x128xf32, #tpu.memory_space<hbm>>) target(%arg10 : memref<128x128xf32, #tpu.memory_space<vmem>>) offsets(%dma_start3A_86 : memref<128xi32, #tpu.memory_space<vmem>>) semaphore(%arg12 : memref<!tpu.dma_semaphore, #tpu.memory_space<semaphore_mem>>)
      } else {
      }
    }
    %scan3A_49 = arith.constant 20 : i32
    %barrier3A_50 = arith.constant 0 : index
    tpu.barrier barrier_id(%barrier3A_50)
    "tpu.region"() ({
      %run_scoped3A = tpu.sem_alloc : memref<!tpu.dma_semaphore, #tpu.memory_space<semaphore_mem>>
      %dma_start3A_51 = arith.constant 0 : i32
      %dma_start3A_52 = tpu.memref_slice %arg6[%arg0, %multiple_of3A_5, %dma_start3A_51] : memref<2x10240x128xf32, #tpu.memory_space<hbm>> -> memref<1x640x128xf32, #tpu.memory_space<hbm>>
      %dma_start3A_53 = tpu.memref_squeeze %dma_start3A_52 : memref<1x640x128xf32, #tpu.memory_space<hbm>> -> memref<640x128xf32, #tpu.memory_space<hbm>>
      %dma_start3A_54 = arith.constant 0 : i32
      %dma_start3A_55 = tpu.memref_slice %arg13[%multiple_of3A_5, %dma_start3A_54] : memref<10240x128xf32, #tpu.memory_space<vmem_shared>> -> memref<640x128xf32, #tpu.memory_space<vmem_shared>>
      tpu.enqueue_dma source(%dma_start3A_55 : memref<640x128xf32, #tpu.memory_space<vmem_shared>>) target(%dma_start3A_53 : memref<640x128xf32, #tpu.memory_space<hbm>>) target_semaphore(%run_scoped3A : memref<!tpu.dma_semaphore, #tpu.memory_space<semaphore_mem>>)
      %dma_wait3A = arith.constant 0 : i32
      %dma_wait3A_56 = tpu.memref_slice %arg6[%arg0, %multiple_of3A_5, %dma_wait3A] : memref<2x10240x128xf32, #tpu.memory_space<hbm>> -> memref<1x640x128xf32, #tpu.memory_space<hbm>>
      %dma_wait3A_57 = tpu.memref_squeeze %dma_wait3A_56 : memref<1x640x128xf32, #tpu.memory_space<hbm>> -> memref<640x128xf32, #tpu.memory_space<hbm>>
      %dma_wait3A_58 = arith.constant 0 : i32
      %dma_wait3A_59 = tpu.memref_slice %arg13[%multiple_of3A_5, %dma_wait3A_58] : memref<10240x128xf32, #tpu.memory_space<vmem_shared>> -> memref<640x128xf32, #tpu.memory_space<vmem_shared>>
      tpu.wait_dma2 semaphore(%run_scoped3A : memref<!tpu.dma_semaphore, #tpu.memory_space<semaphore_mem>>) src(%dma_wait3A_59 : memref<640x128xf32, #tpu.memory_space<vmem_shared>>) dst(%dma_wait3A_57 : memref<640x128xf32, #tpu.memory_space<hbm>>)
      tpu.yield
    }) : () -> ()
    return
  }
}

#map = affine_map<(d0, d1) -> (0, 0)>
#map1 = affine_map<(d0, d1) -> (0, 0, 0)>
module attributes {stable_mosaic.version = 14 : i64} {
  func.func @agg_kernel(%arg0: i32, %arg1: i32, %arg2: memref<10240x128xf32, #tpu.memory_space<hbm>>, %arg3: memref<2560x128xi32, #tpu.memory_space<hbm>>, %arg4: memref<2560x128xi32, #tpu.memory_space<hbm>>, %arg5: memref<640x128xf32, #tpu.memory_space<hbm>>, %arg6: memref<2x10240x128xf32, #tpu.memory_space<hbm>>, %arg7: memref<40x128xi32, #tpu.memory_space<vmem>>, %arg8: memref<40x128xi32, #tpu.memory_space<vmem>>, %arg9: memref<128x128xf32, #tpu.memory_space<vmem>>, %arg10: memref<128x128xf32, #tpu.memory_space<vmem>>, %arg11: memref<!tpu.dma_semaphore, #tpu.memory_space<semaphore_mem>>, %arg12: memref<!tpu.dma_semaphore, #tpu.memory_space<semaphore_mem>>, %arg13: memref<10240x128xf32, #tpu.memory_space<vmem_shared>>) attributes {dimension_semantics = [#tpu.dimension_semantics<core_parallel>, #tpu.dimension_semantics<subcore_parallel>], iteration_bounds = array<i64: 2, 16>, scalar_prefetch = 0 : i64, scratch_operands = 7 : i64, tpu.core_type = #tpu.core_type<sc_vector_subcore>, window_params = [{transform_indices = #map}, {transform_indices = #map}, {transform_indices = #map}, {transform_indices = #map}, {transform_indices = #map1}]} {
    %mul3A = arith.constant 16 : i32
    %mul3A_0 = arith.muli %arg0, %mul3A : i32
    %add3A = arith.addi %mul3A_0, %arg1 : i32
    %mul3A_1 = arith.constant 80 : i32
    %mul3A_2 = arith.muli %add3A, %mul3A_1 : i32
    %multiple_of3A = tpu.assume_multiple %mul3A_2, 8 : i32
    %mul3A_3 = arith.constant 640 : i32
    %mul3A_4 = arith.muli %arg1, %mul3A_3 : i32
    %multiple_of3A_5 = tpu.assume_multiple %mul3A_4, 128 : i32
    "tpu.region"() ({
      %run_scoped3A = tpu.sem_alloc : memref<!tpu.dma_semaphore, #tpu.memory_space<semaphore_mem>>
      %dma_start3A_51 = arith.constant 0 : i32
      %dma_start3A_52 = tpu.memref_slice %arg13[%multiple_of3A_5, %dma_start3A_51] : memref<10240x128xf32, #tpu.memory_space<vmem_shared>> -> memref<640x128xf32, #tpu.memory_space<vmem_shared>>
      tpu.enqueue_dma source(%arg5 : memref<640x128xf32, #tpu.memory_space<hbm>>) target(%dma_start3A_52 : memref<640x128xf32, #tpu.memory_space<vmem_shared>>) target_semaphore(%run_scoped3A : memref<!tpu.dma_semaphore, #tpu.memory_space<semaphore_mem>>)
      %dma_wait3A = arith.constant 0 : i32
      %dma_wait3A_53 = tpu.memref_slice %arg13[%multiple_of3A_5, %dma_wait3A] : memref<10240x128xf32, #tpu.memory_space<vmem_shared>> -> memref<640x128xf32, #tpu.memory_space<vmem_shared>>
      tpu.wait_dma2 semaphore(%run_scoped3A : memref<!tpu.dma_semaphore, #tpu.memory_space<semaphore_mem>>) src(%arg5 : memref<640x128xf32, #tpu.memory_space<hbm>>) dst(%dma_wait3A_53 : memref<640x128xf32, #tpu.memory_space<vmem_shared>>)
      tpu.yield
    }) : () -> ()
    %barrier3A = arith.constant 0 : index
    tpu.barrier barrier_id(%barrier3A)
    %add3A_6 = arith.constant 0 : i32
    %add3A_7 = arith.addi %multiple_of3A, %add3A_6 : i32
    %multiple_of3A_8 = tpu.assume_multiple %add3A_7, 8 : i32
    "tpu.region"() ({
      %run_scoped3A = tpu.sem_alloc : memref<!tpu.dma_semaphore, #tpu.memory_space<semaphore_mem>>
      %dma_start3A_51 = arith.constant 0 : i32
      %dma_start3A_52 = tpu.memref_slice %arg3[%multiple_of3A_8, %dma_start3A_51] : memref<2560x128xi32, #tpu.memory_space<hbm>> -> memref<40x128xi32, #tpu.memory_space<hbm>>
      %dma_start3A_53 = arith.constant 0 : i32
      %dma_start3A_54 = tpu.memref_slice %arg3[%multiple_of3A_8, %dma_start3A_53] : memref<2560x128xi32, #tpu.memory_space<hbm>> -> memref<40x128xi32, #tpu.memory_space<hbm>>
      tpu.enqueue_dma source(%dma_start3A_54 : memref<40x128xi32, #tpu.memory_space<hbm>>) target(%arg7 : memref<40x128xi32, #tpu.memory_space<vmem>>) target_semaphore(%run_scoped3A : memref<!tpu.dma_semaphore, #tpu.memory_space<semaphore_mem>>)
      %dma_wait3A = arith.constant 0 : i32
      %dma_wait3A_55 = tpu.memref_slice %arg3[%multiple_of3A_8, %dma_wait3A] : memref<2560x128xi32, #tpu.memory_space<hbm>> -> memref<40x128xi32, #tpu.memory_space<hbm>>
      %dma_wait3A_56 = arith.constant 0 : i32
      %dma_wait3A_57 = tpu.memref_slice %arg3[%multiple_of3A_8, %dma_wait3A_56] : memref<2560x128xi32, #tpu.memory_space<hbm>> -> memref<40x128xi32, #tpu.memory_space<hbm>>
      tpu.wait_dma2 semaphore(%run_scoped3A : memref<!tpu.dma_semaphore, #tpu.memory_space<semaphore_mem>>) src(%dma_wait3A_57 : memref<40x128xi32, #tpu.memory_space<hbm>>) dst(%arg7 : memref<40x128xi32, #tpu.memory_space<vmem>>)
      tpu.yield
    }) : () -> ()
    "tpu.region"() ({
      %run_scoped3A = tpu.sem_alloc : memref<!tpu.dma_semaphore, #tpu.memory_space<semaphore_mem>>
      %dma_start3A_51 = arith.constant 0 : i32
      %dma_start3A_52 = tpu.memref_slice %arg4[%multiple_of3A_8, %dma_start3A_51] : memref<2560x128xi32, #tpu.memory_space<hbm>> -> memref<40x128xi32, #tpu.memory_space<hbm>>
      %dma_start3A_53 = arith.constant 0 : i32
      %dma_start3A_54 = tpu.memref_slice %arg4[%multiple_of3A_8, %dma_start3A_53] : memref<2560x128xi32, #tpu.memory_space<hbm>> -> memref<40x128xi32, #tpu.memory_space<hbm>>
      tpu.enqueue_dma source(%dma_start3A_54 : memref<40x128xi32, #tpu.memory_space<hbm>>) target(%arg8 : memref<40x128xi32, #tpu.memory_space<vmem>>) target_semaphore(%run_scoped3A : memref<!tpu.dma_semaphore, #tpu.memory_space<semaphore_mem>>)
      %dma_wait3A = arith.constant 0 : i32
      %dma_wait3A_55 = tpu.memref_slice %arg4[%multiple_of3A_8, %dma_wait3A] : memref<2560x128xi32, #tpu.memory_space<hbm>> -> memref<40x128xi32, #tpu.memory_space<hbm>>
      %dma_wait3A_56 = arith.constant 0 : i32
      %dma_wait3A_57 = tpu.memref_slice %arg4[%multiple_of3A_8, %dma_wait3A_56] : memref<2560x128xi32, #tpu.memory_space<hbm>> -> memref<40x128xi32, #tpu.memory_space<hbm>>
      tpu.wait_dma2 semaphore(%run_scoped3A : memref<!tpu.dma_semaphore, #tpu.memory_space<semaphore_mem>>) src(%dma_wait3A_57 : memref<40x128xi32, #tpu.memory_space<hbm>>) dst(%arg8 : memref<40x128xi32, #tpu.memory_space<vmem>>)
      tpu.yield
    }) : () -> ()
    %dma_start3A = arith.constant 0 : i32
    %dma_start3A_9 = arith.constant 0 : i32
    %dma_start3A_10 = tpu.memref_slice %arg7[%dma_start3A, %dma_start3A_9] : memref<40x128xi32, #tpu.memory_space<vmem>> -> memref<1x128xi32, #tpu.memory_space<vmem>>
    %dma_start3A_11 = tpu.memref_squeeze %dma_start3A_10 : memref<1x128xi32, #tpu.memory_space<vmem>> -> memref<128xi32, #tpu.memory_space<vmem>>
    %dma_start3A_12 = arith.constant 0 : i32
    %dma_start3A_13 = arith.constant 0 : i32
    %dma_start3A_14 = tpu.memref_slice %arg2[%dma_start3A_12, %dma_start3A_13] : memref<10240x128xf32, #tpu.memory_space<hbm>> -> memref<10240x128xf32, #tpu.memory_space<hbm>>
    tpu.enqueue_indirect_dma source(%dma_start3A_14 : memref<10240x128xf32, #tpu.memory_space<hbm>>) target(%arg9 : memref<128x128xf32, #tpu.memory_space<vmem>>) offsets(%dma_start3A_11 : memref<128xi32, #tpu.memory_space<vmem>>) semaphore(%arg11 : memref<!tpu.dma_semaphore, #tpu.memory_space<semaphore_mem>>)
    %dma_start3A_15 = arith.constant 1 : i32
    %dma_start3A_16 = arith.constant 0 : i32
    %dma_start3A_17 = tpu.memref_slice %arg7[%dma_start3A_15, %dma_start3A_16] : memref<40x128xi32, #tpu.memory_space<vmem>> -> memref<1x128xi32, #tpu.memory_space<vmem>>
    %dma_start3A_18 = tpu.memref_squeeze %dma_start3A_17 : memref<1x128xi32, #tpu.memory_space<vmem>> -> memref<128xi32, #tpu.memory_space<vmem>>
    %dma_start3A_19 = arith.constant 0 : i32
    %dma_start3A_20 = arith.constant 0 : i32
    %dma_start3A_21 = tpu.memref_slice %arg2[%dma_start3A_19, %dma_start3A_20] : memref<10240x128xf32, #tpu.memory_space<hbm>> -> memref<10240x128xf32, #tpu.memory_space<hbm>>
    tpu.enqueue_indirect_dma source(%dma_start3A_21 : memref<10240x128xf32, #tpu.memory_space<hbm>>) target(%arg10 : memref<128x128xf32, #tpu.memory_space<vmem>>) offsets(%dma_start3A_18 : memref<128xi32, #tpu.memory_space<vmem>>) semaphore(%arg12 : memref<!tpu.dma_semaphore, #tpu.memory_space<semaphore_mem>>)
    %scan3A = arith.constant 0 : i32
    %scan3A_22 = arith.constant 0 : i32
    %scan3A_23 = arith.constant 20 : i32
    %scan3A_24 = arith.addi %scan3A_22, %scan3A_23 : i32
    %scan3A_25 = arith.constant 1 : i32
    scf.for %scan3A_51 = %scan3A_22 to %scan3A_24 step %scan3A_25  : i32 {
      %mul3A_52 = arith.constant 2 : i32
      %mul3A_53 = arith.muli %scan3A_51, %mul3A_52 : i32
      %add3A_54 = arith.constant 0 : i32
      %add3A_55 = arith.addi %mul3A_53, %add3A_54 : i32
      %dma_wait3A = arith.constant 0 : i32
      %dma_wait3A_56 = tpu.memref_slice %arg7[%add3A_55, %dma_wait3A] : memref<40x128xi32, #tpu.memory_space<vmem>> -> memref<1x128xi32, #tpu.memory_space<vmem>>
      %dma_wait3A_57 = tpu.memref_squeeze %dma_wait3A_56 : memref<1x128xi32, #tpu.memory_space<vmem>> -> memref<128xi32, #tpu.memory_space<vmem>>
      %dma_wait3A_58 = arith.constant 0 : i32
      %dma_wait3A_59 = arith.constant 0 : i32
      %dma_wait3A_60 = tpu.memref_slice %arg2[%dma_wait3A_58, %dma_wait3A_59] : memref<10240x128xf32, #tpu.memory_space<hbm>> -> memref<10240x128xf32, #tpu.memory_space<hbm>>
      tpu.wait_indirect_dma semaphore(%arg11 : memref<!tpu.dma_semaphore, #tpu.memory_space<semaphore_mem>>) src(%dma_wait3A_60 : memref<10240x128xf32, #tpu.memory_space<hbm>>) dst(%arg9 : memref<128x128xf32, #tpu.memory_space<vmem>>)
      "tpu.region"() ({
        %run_scoped3A = tpu.sem_alloc : memref<!tpu.dma_semaphore, #tpu.memory_space<semaphore_mem>>
        %dma_start3A_82 = arith.constant 0 : i32
        %dma_start3A_83 = tpu.memref_slice %arg8[%add3A_55, %dma_start3A_82] : memref<40x128xi32, #tpu.memory_space<vmem>> -> memref<1x128xi32, #tpu.memory_space<vmem>>
        %dma_start3A_84 = tpu.memref_squeeze %dma_start3A_83 : memref<1x128xi32, #tpu.memory_space<vmem>> -> memref<128xi32, #tpu.memory_space<vmem>>
        %dma_start3A_85 = arith.constant 0 : i32
        %dma_start3A_86 = arith.constant 0 : i32
        %dma_start3A_87 = tpu.memref_slice %arg13[%dma_start3A_85, %dma_start3A_86] : memref<10240x128xf32, #tpu.memory_space<vmem_shared>> -> memref<10240x128xf32, #tpu.memory_space<vmem_shared>>
        tpu.enqueue_indirect_dma source(%arg9 : memref<128x128xf32, #tpu.memory_space<vmem>>) target(%dma_start3A_87 : memref<10240x128xf32, #tpu.memory_space<vmem_shared>>) offsets(%dma_start3A_84 : memref<128xi32, #tpu.memory_space<vmem>>) semaphore(%run_scoped3A : memref<!tpu.dma_semaphore, #tpu.memory_space<semaphore_mem>>) {add = true}
        %dma_wait3A_88 = arith.constant 0 : i32
        %dma_wait3A_89 = tpu.memref_slice %arg8[%add3A_55, %dma_wait3A_88] : memref<40x128xi32, #tpu.memory_space<vmem>> -> memref<1x128xi32, #tpu.memory_space<vmem>>
        %dma_wait3A_90 = tpu.memref_squeeze %dma_wait3A_89 : memref<1x128xi32, #tpu.memory_space<vmem>> -> memref<128xi32, #tpu.memory_space<vmem>>
        %dma_wait3A_91 = arith.constant 0 : i32
        %dma_wait3A_92 = arith.constant 0 : i32
        %dma_wait3A_93 = tpu.memref_slice %arg13[%dma_wait3A_91, %dma_wait3A_92] : memref<10240x128xf32, #tpu.memory_space<vmem_shared>> -> memref<10240x128xf32, #tpu.memory_space<vmem_shared>>
        tpu.wait_indirect_dma semaphore(%run_scoped3A : memref<!tpu.dma_semaphore, #tpu.memory_space<semaphore_mem>>) src(%arg9 : memref<128x128xf32, #tpu.memory_space<vmem>>) dst(%dma_wait3A_93 : memref<10240x128xf32, #tpu.memory_space<vmem_shared>>)
        tpu.yield
      }) : () -> ()
      %add3A_61 = arith.constant 2 : i32
      %add3A_62 = arith.addi %add3A_55, %add3A_61 : i32
      %lt3A = arith.constant 40 : i32
      %lt3A_63 = arith.cmpi slt, %add3A_62, %lt3A : i32
      %convert_element_type3A = arith.extui %lt3A_63 : i1 to i32
      %cond3A = arith.constant 0 : i32
      %cond3A_64 = arith.cmpi ne, %convert_element_type3A, %cond3A : i32
      scf.if %cond3A_64 {
        %add3A_82 = arith.constant 2 : i32
        %add3A_83 = arith.addi %add3A_55, %add3A_82 : i32
        %dma_start3A_84 = arith.constant 0 : i32
        %dma_start3A_85 = tpu.memref_slice %arg7[%add3A_83, %dma_start3A_84] : memref<40x128xi32, #tpu.memory_space<vmem>> -> memref<1x128xi32, #tpu.memory_space<vmem>>
        %dma_start3A_86 = tpu.memref_squeeze %dma_start3A_85 : memref<1x128xi32, #tpu.memory_space<vmem>> -> memref<128xi32, #tpu.memory_space<vmem>>
        %dma_start3A_87 = arith.constant 0 : i32
        %dma_start3A_88 = arith.constant 0 : i32
        %dma_start3A_89 = tpu.memref_slice %arg2[%dma_start3A_87, %dma_start3A_88] : memref<10240x128xf32, #tpu.memory_space<hbm>> -> memref<10240x128xf32, #tpu.memory_space<hbm>>
        tpu.enqueue_indirect_dma source(%dma_start3A_89 : memref<10240x128xf32, #tpu.memory_space<hbm>>) target(%arg9 : memref<128x128xf32, #tpu.memory_space<vmem>>) offsets(%dma_start3A_86 : memref<128xi32, #tpu.memory_space<vmem>>) semaphore(%arg11 : memref<!tpu.dma_semaphore, #tpu.memory_space<semaphore_mem>>)
      } else {
      }
      %mul3A_65 = arith.constant 2 : i32
      %mul3A_66 = arith.muli %scan3A_51, %mul3A_65 : i32
      %add3A_67 = arith.constant 1 : i32
      %add3A_68 = arith.addi %mul3A_66, %add3A_67 : i32
      %dma_wait3A_69 = arith.constant 0 : i32
      %dma_wait3A_70 = tpu.memref_slice %arg7[%add3A_68, %dma_wait3A_69] : memref<40x128xi32, #tpu.memory_space<vmem>> -> memref<1x128xi32, #tpu.memory_space<vmem>>
      %dma_wait3A_71 = tpu.memref_squeeze %dma_wait3A_70 : memref<1x128xi32, #tpu.memory_space<vmem>> -> memref<128xi32, #tpu.memory_space<vmem>>
      %dma_wait3A_72 = arith.constant 0 : i32
      %dma_wait3A_73 = arith.constant 0 : i32
      %dma_wait3A_74 = tpu.memref_slice %arg2[%dma_wait3A_72, %dma_wait3A_73] : memref<10240x128xf32, #tpu.memory_space<hbm>> -> memref<10240x128xf32, #tpu.memory_space<hbm>>
      tpu.wait_indirect_dma semaphore(%arg12 : memref<!tpu.dma_semaphore, #tpu.memory_space<semaphore_mem>>) src(%dma_wait3A_74 : memref<10240x128xf32, #tpu.memory_space<hbm>>) dst(%arg10 : memref<128x128xf32, #tpu.memory_space<vmem>>)
      "tpu.region"() ({
        %run_scoped3A = tpu.sem_alloc : memref<!tpu.dma_semaphore, #tpu.memory_space<semaphore_mem>>
        %dma_start3A_82 = arith.constant 0 : i32
        %dma_start3A_83 = tpu.memref_slice %arg8[%add3A_68, %dma_start3A_82] : memref<40x128xi32, #tpu.memory_space<vmem>> -> memref<1x128xi32, #tpu.memory_space<vmem>>
        %dma_start3A_84 = tpu.memref_squeeze %dma_start3A_83 : memref<1x128xi32, #tpu.memory_space<vmem>> -> memref<128xi32, #tpu.memory_space<vmem>>
        %dma_start3A_85 = arith.constant 0 : i32
        %dma_start3A_86 = arith.constant 0 : i32
        %dma_start3A_87 = tpu.memref_slice %arg13[%dma_start3A_85, %dma_start3A_86] : memref<10240x128xf32, #tpu.memory_space<vmem_shared>> -> memref<10240x128xf32, #tpu.memory_space<vmem_shared>>
        tpu.enqueue_indirect_dma source(%arg10 : memref<128x128xf32, #tpu.memory_space<vmem>>) target(%dma_start3A_87 : memref<10240x128xf32, #tpu.memory_space<vmem_shared>>) offsets(%dma_start3A_84 : memref<128xi32, #tpu.memory_space<vmem>>) semaphore(%run_scoped3A : memref<!tpu.dma_semaphore, #tpu.memory_space<semaphore_mem>>) {add = true}
        %dma_wait3A_88 = arith.constant 0 : i32
        %dma_wait3A_89 = tpu.memref_slice %arg8[%add3A_68, %dma_wait3A_88] : memref<40x128xi32, #tpu.memory_space<vmem>> -> memref<1x128xi32, #tpu.memory_space<vmem>>
        %dma_wait3A_90 = tpu.memref_squeeze %dma_wait3A_89 : memref<1x128xi32, #tpu.memory_space<vmem>> -> memref<128xi32, #tpu.memory_space<vmem>>
        %dma_wait3A_91 = arith.constant 0 : i32
        %dma_wait3A_92 = arith.constant 0 : i32
        %dma_wait3A_93 = tpu.memref_slice %arg13[%dma_wait3A_91, %dma_wait3A_92] : memref<10240x128xf32, #tpu.memory_space<vmem_shared>> -> memref<10240x128xf32, #tpu.memory_space<vmem_shared>>
        tpu.wait_indirect_dma semaphore(%run_scoped3A : memref<!tpu.dma_semaphore, #tpu.memory_space<semaphore_mem>>) src(%arg10 : memref<128x128xf32, #tpu.memory_space<vmem>>) dst(%dma_wait3A_93 : memref<10240x128xf32, #tpu.memory_space<vmem_shared>>)
        tpu.yield
      }) : () -> ()
      %add3A_75 = arith.constant 2 : i32
      %add3A_76 = arith.addi %add3A_68, %add3A_75 : i32
      %lt3A_77 = arith.constant 40 : i32
      %lt3A_78 = arith.cmpi slt, %add3A_76, %lt3A_77 : i32
      %convert_element_type3A_79 = arith.extui %lt3A_78 : i1 to i32
      %cond3A_80 = arith.constant 0 : i32
      %cond3A_81 = arith.cmpi ne, %convert_element_type3A_79, %cond3A_80 : i32
      scf.if %cond3A_81 {
        %add3A_82 = arith.constant 2 : i32
        %add3A_83 = arith.addi %add3A_68, %add3A_82 : i32
        %dma_start3A_84 = arith.constant 0 : i32
        %dma_start3A_85 = tpu.memref_slice %arg7[%add3A_83, %dma_start3A_84] : memref<40x128xi32, #tpu.memory_space<vmem>> -> memref<1x128xi32, #tpu.memory_space<vmem>>
        %dma_start3A_86 = tpu.memref_squeeze %dma_start3A_85 : memref<1x128xi32, #tpu.memory_space<vmem>> -> memref<128xi32, #tpu.memory_space<vmem>>
        %dma_start3A_87 = arith.constant 0 : i32
        %dma_start3A_88 = arith.constant 0 : i32
        %dma_start3A_89 = tpu.memref_slice %arg2[%dma_start3A_87, %dma_start3A_88] : memref<10240x128xf32, #tpu.memory_space<hbm>> -> memref<10240x128xf32, #tpu.memory_space<hbm>>
        tpu.enqueue_indirect_dma source(%dma_start3A_89 : memref<10240x128xf32, #tpu.memory_space<hbm>>) target(%arg10 : memref<128x128xf32, #tpu.memory_space<vmem>>) offsets(%dma_start3A_86 : memref<128xi32, #tpu.memory_space<vmem>>) semaphore(%arg12 : memref<!tpu.dma_semaphore, #tpu.memory_space<semaphore_mem>>)
      } else {
      }
    }
    %scan3A_26 = arith.constant 20 : i32
    %add3A_27 = arith.constant 40 : i32
    %add3A_28 = arith.addi %multiple_of3A, %add3A_27 : i32
    %multiple_of3A_29 = tpu.assume_multiple %add3A_28, 8 : i32
    "tpu.region"() ({
      %run_scoped3A = tpu.sem_alloc : memref<!tpu.dma_semaphore, #tpu.memory_space<semaphore_mem>>
      %dma_start3A_51 = arith.constant 0 : i32
      %dma_start3A_52 = tpu.memref_slice %arg3[%multiple_of3A_29, %dma_start3A_51] : memref<2560x128xi32, #tpu.memory_space<hbm>> -> memref<40x128xi32, #tpu.memory_space<hbm>>
      %dma_start3A_53 = arith.constant 0 : i32
      %dma_start3A_54 = tpu.memref_slice %arg3[%multiple_of3A_29, %dma_start3A_53] : memref<2560x128xi32, #tpu.memory_space<hbm>> -> memref<40x128xi32, #tpu.memory_space<hbm>>
      tpu.enqueue_dma source(%dma_start3A_54 : memref<40x128xi32, #tpu.memory_space<hbm>>) target(%arg7 : memref<40x128xi32, #tpu.memory_space<vmem>>) target_semaphore(%run_scoped3A : memref<!tpu.dma_semaphore, #tpu.memory_space<semaphore_mem>>)
      %dma_wait3A = arith.constant 0 : i32
      %dma_wait3A_55 = tpu.memref_slice %arg3[%multiple_of3A_29, %dma_wait3A] : memref<2560x128xi32, #tpu.memory_space<hbm>> -> memref<40x128xi32, #tpu.memory_space<hbm>>
      %dma_wait3A_56 = arith.constant 0 : i32
      %dma_wait3A_57 = tpu.memref_slice %arg3[%multiple_of3A_29, %dma_wait3A_56] : memref<2560x128xi32, #tpu.memory_space<hbm>> -> memref<40x128xi32, #tpu.memory_space<hbm>>
      tpu.wait_dma2 semaphore(%run_scoped3A : memref<!tpu.dma_semaphore, #tpu.memory_space<semaphore_mem>>) src(%dma_wait3A_57 : memref<40x128xi32, #tpu.memory_space<hbm>>) dst(%arg7 : memref<40x128xi32, #tpu.memory_space<vmem>>)
      tpu.yield
    }) : () -> ()
    "tpu.region"() ({
      %run_scoped3A = tpu.sem_alloc : memref<!tpu.dma_semaphore, #tpu.memory_space<semaphore_mem>>
      %dma_start3A_51 = arith.constant 0 : i32
      %dma_start3A_52 = tpu.memref_slice %arg4[%multiple_of3A_29, %dma_start3A_51] : memref<2560x128xi32, #tpu.memory_space<hbm>> -> memref<40x128xi32, #tpu.memory_space<hbm>>
      %dma_start3A_53 = arith.constant 0 : i32
      %dma_start3A_54 = tpu.memref_slice %arg4[%multiple_of3A_29, %dma_start3A_53] : memref<2560x128xi32, #tpu.memory_space<hbm>> -> memref<40x128xi32, #tpu.memory_space<hbm>>
      tpu.enqueue_dma source(%dma_start3A_54 : memref<40x128xi32, #tpu.memory_space<hbm>>) target(%arg8 : memref<40x128xi32, #tpu.memory_space<vmem>>) target_semaphore(%run_scoped3A : memref<!tpu.dma_semaphore, #tpu.memory_space<semaphore_mem>>)
      %dma_wait3A = arith.constant 0 : i32
      %dma_wait3A_55 = tpu.memref_slice %arg4[%multiple_of3A_29, %dma_wait3A] : memref<2560x128xi32, #tpu.memory_space<hbm>> -> memref<40x128xi32, #tpu.memory_space<hbm>>
      %dma_wait3A_56 = arith.constant 0 : i32
      %dma_wait3A_57 = tpu.memref_slice %arg4[%multiple_of3A_29, %dma_wait3A_56] : memref<2560x128xi32, #tpu.memory_space<hbm>> -> memref<40x128xi32, #tpu.memory_space<hbm>>
      tpu.wait_dma2 semaphore(%run_scoped3A : memref<!tpu.dma_semaphore, #tpu.memory_space<semaphore_mem>>) src(%dma_wait3A_57 : memref<40x128xi32, #tpu.memory_space<hbm>>) dst(%arg8 : memref<40x128xi32, #tpu.memory_space<vmem>>)
      tpu.yield
    }) : () -> ()
    %dma_start3A_30 = arith.constant 0 : i32
    %dma_start3A_31 = arith.constant 0 : i32
    %dma_start3A_32 = tpu.memref_slice %arg7[%dma_start3A_30, %dma_start3A_31] : memref<40x128xi32, #tpu.memory_space<vmem>> -> memref<1x128xi32, #tpu.memory_space<vmem>>
    %dma_start3A_33 = tpu.memref_squeeze %dma_start3A_32 : memref<1x128xi32, #tpu.memory_space<vmem>> -> memref<128xi32, #tpu.memory_space<vmem>>
    %dma_start3A_34 = arith.constant 0 : i32
    %dma_start3A_35 = arith.constant 0 : i32
    %dma_start3A_36 = tpu.memref_slice %arg2[%dma_start3A_34, %dma_start3A_35] : memref<10240x128xf32, #tpu.memory_space<hbm>> -> memref<10240x128xf32, #tpu.memory_space<hbm>>
    tpu.enqueue_indirect_dma source(%dma_start3A_36 : memref<10240x128xf32, #tpu.memory_space<hbm>>) target(%arg9 : memref<128x128xf32, #tpu.memory_space<vmem>>) offsets(%dma_start3A_33 : memref<128xi32, #tpu.memory_space<vmem>>) semaphore(%arg11 : memref<!tpu.dma_semaphore, #tpu.memory_space<semaphore_mem>>)
    %dma_start3A_37 = arith.constant 1 : i32
    %dma_start3A_38 = arith.constant 0 : i32
    %dma_start3A_39 = tpu.memref_slice %arg7[%dma_start3A_37, %dma_start3A_38] : memref<40x128xi32, #tpu.memory_space<vmem>> -> memref<1x128xi32, #tpu.memory_space<vmem>>
    %dma_start3A_40 = tpu.memref_squeeze %dma_start3A_39 : memref<1x128xi32, #tpu.memory_space<vmem>> -> memref<128xi32, #tpu.memory_space<vmem>>
    %dma_start3A_41 = arith.constant 0 : i32
    %dma_start3A_42 = arith.constant 0 : i32
    %dma_start3A_43 = tpu.memref_slice %arg2[%dma_start3A_41, %dma_start3A_42] : memref<10240x128xf32, #tpu.memory_space<hbm>> -> memref<10240x128xf32, #tpu.memory_space<hbm>>
    tpu.enqueue_indirect_dma source(%dma_start3A_43 : memref<10240x128xf32, #tpu.memory_space<hbm>>) target(%arg10 : memref<128x128xf32, #tpu.memory_space<vmem>>) offsets(%dma_start3A_40 : memref<128xi32, #tpu.memory_space<vmem>>) semaphore(%arg12 : memref<!tpu.dma_semaphore, #tpu.memory_space<semaphore_mem>>)
    %scan3A_44 = arith.constant 0 : i32
    %scan3A_45 = arith.constant 0 : i32
    %scan3A_46 = arith.constant 20 : i32
    %scan3A_47 = arith.addi %scan3A_45, %scan3A_46 : i32
    %scan3A_48 = arith.constant 1 : i32
    scf.for %scan3A_51 = %scan3A_45 to %scan3A_47 step %scan3A_48  : i32 {
      %mul3A_52 = arith.constant 2 : i32
      %mul3A_53 = arith.muli %scan3A_51, %mul3A_52 : i32
      %add3A_54 = arith.constant 0 : i32
      %add3A_55 = arith.addi %mul3A_53, %add3A_54 : i32
      %dma_wait3A = arith.constant 0 : i32
      %dma_wait3A_56 = tpu.memref_slice %arg7[%add3A_55, %dma_wait3A] : memref<40x128xi32, #tpu.memory_space<vmem>> -> memref<1x128xi32, #tpu.memory_space<vmem>>
      %dma_wait3A_57 = tpu.memref_squeeze %dma_wait3A_56 : memref<1x128xi32, #tpu.memory_space<vmem>> -> memref<128xi32, #tpu.memory_space<vmem>>
      %dma_wait3A_58 = arith.constant 0 : i32
      %dma_wait3A_59 = arith.constant 0 : i32
      %dma_wait3A_60 = tpu.memref_slice %arg2[%dma_wait3A_58, %dma_wait3A_59] : memref<10240x128xf32, #tpu.memory_space<hbm>> -> memref<10240x128xf32, #tpu.memory_space<hbm>>
      tpu.wait_indirect_dma semaphore(%arg11 : memref<!tpu.dma_semaphore, #tpu.memory_space<semaphore_mem>>) src(%dma_wait3A_60 : memref<10240x128xf32, #tpu.memory_space<hbm>>) dst(%arg9 : memref<128x128xf32, #tpu.memory_space<vmem>>)
      "tpu.region"() ({
        %run_scoped3A = tpu.sem_alloc : memref<!tpu.dma_semaphore, #tpu.memory_space<semaphore_mem>>
        %dma_start3A_82 = arith.constant 0 : i32
        %dma_start3A_83 = tpu.memref_slice %arg8[%add3A_55, %dma_start3A_82] : memref<40x128xi32, #tpu.memory_space<vmem>> -> memref<1x128xi32, #tpu.memory_space<vmem>>
        %dma_start3A_84 = tpu.memref_squeeze %dma_start3A_83 : memref<1x128xi32, #tpu.memory_space<vmem>> -> memref<128xi32, #tpu.memory_space<vmem>>
        %dma_start3A_85 = arith.constant 0 : i32
        %dma_start3A_86 = arith.constant 0 : i32
        %dma_start3A_87 = tpu.memref_slice %arg13[%dma_start3A_85, %dma_start3A_86] : memref<10240x128xf32, #tpu.memory_space<vmem_shared>> -> memref<10240x128xf32, #tpu.memory_space<vmem_shared>>
        tpu.enqueue_indirect_dma source(%arg9 : memref<128x128xf32, #tpu.memory_space<vmem>>) target(%dma_start3A_87 : memref<10240x128xf32, #tpu.memory_space<vmem_shared>>) offsets(%dma_start3A_84 : memref<128xi32, #tpu.memory_space<vmem>>) semaphore(%run_scoped3A : memref<!tpu.dma_semaphore, #tpu.memory_space<semaphore_mem>>) {add = true}
        %dma_wait3A_88 = arith.constant 0 : i32
        %dma_wait3A_89 = tpu.memref_slice %arg8[%add3A_55, %dma_wait3A_88] : memref<40x128xi32, #tpu.memory_space<vmem>> -> memref<1x128xi32, #tpu.memory_space<vmem>>
        %dma_wait3A_90 = tpu.memref_squeeze %dma_wait3A_89 : memref<1x128xi32, #tpu.memory_space<vmem>> -> memref<128xi32, #tpu.memory_space<vmem>>
        %dma_wait3A_91 = arith.constant 0 : i32
        %dma_wait3A_92 = arith.constant 0 : i32
        %dma_wait3A_93 = tpu.memref_slice %arg13[%dma_wait3A_91, %dma_wait3A_92] : memref<10240x128xf32, #tpu.memory_space<vmem_shared>> -> memref<10240x128xf32, #tpu.memory_space<vmem_shared>>
        tpu.wait_indirect_dma semaphore(%run_scoped3A : memref<!tpu.dma_semaphore, #tpu.memory_space<semaphore_mem>>) src(%arg9 : memref<128x128xf32, #tpu.memory_space<vmem>>) dst(%dma_wait3A_93 : memref<10240x128xf32, #tpu.memory_space<vmem_shared>>)
        tpu.yield
      }) : () -> ()
      %add3A_61 = arith.constant 2 : i32
      %add3A_62 = arith.addi %add3A_55, %add3A_61 : i32
      %lt3A = arith.constant 40 : i32
      %lt3A_63 = arith.cmpi slt, %add3A_62, %lt3A : i32
      %convert_element_type3A = arith.extui %lt3A_63 : i1 to i32
      %cond3A = arith.constant 0 : i32
      %cond3A_64 = arith.cmpi ne, %convert_element_type3A, %cond3A : i32
      scf.if %cond3A_64 {
        %add3A_82 = arith.constant 2 : i32
        %add3A_83 = arith.addi %add3A_55, %add3A_82 : i32
        %dma_start3A_84 = arith.constant 0 : i32
        %dma_start3A_85 = tpu.memref_slice %arg7[%add3A_83, %dma_start3A_84] : memref<40x128xi32, #tpu.memory_space<vmem>> -> memref<1x128xi32, #tpu.memory_space<vmem>>
        %dma_start3A_86 = tpu.memref_squeeze %dma_start3A_85 : memref<1x128xi32, #tpu.memory_space<vmem>> -> memref<128xi32, #tpu.memory_space<vmem>>
        %dma_start3A_87 = arith.constant 0 : i32
        %dma_start3A_88 = arith.constant 0 : i32
        %dma_start3A_89 = tpu.memref_slice %arg2[%dma_start3A_87, %dma_start3A_88] : memref<10240x128xf32, #tpu.memory_space<hbm>> -> memref<10240x128xf32, #tpu.memory_space<hbm>>
        tpu.enqueue_indirect_dma source(%dma_start3A_89 : memref<10240x128xf32, #tpu.memory_space<hbm>>) target(%arg9 : memref<128x128xf32, #tpu.memory_space<vmem>>) offsets(%dma_start3A_86 : memref<128xi32, #tpu.memory_space<vmem>>) semaphore(%arg11 : memref<!tpu.dma_semaphore, #tpu.memory_space<semaphore_mem>>)
      } else {
      }
      %mul3A_65 = arith.constant 2 : i32
      %mul3A_66 = arith.muli %scan3A_51, %mul3A_65 : i32
      %add3A_67 = arith.constant 1 : i32
      %add3A_68 = arith.addi %mul3A_66, %add3A_67 : i32
      %dma_wait3A_69 = arith.constant 0 : i32
      %dma_wait3A_70 = tpu.memref_slice %arg7[%add3A_68, %dma_wait3A_69] : memref<40x128xi32, #tpu.memory_space<vmem>> -> memref<1x128xi32, #tpu.memory_space<vmem>>
      %dma_wait3A_71 = tpu.memref_squeeze %dma_wait3A_70 : memref<1x128xi32, #tpu.memory_space<vmem>> -> memref<128xi32, #tpu.memory_space<vmem>>
      %dma_wait3A_72 = arith.constant 0 : i32
      %dma_wait3A_73 = arith.constant 0 : i32
      %dma_wait3A_74 = tpu.memref_slice %arg2[%dma_wait3A_72, %dma_wait3A_73] : memref<10240x128xf32, #tpu.memory_space<hbm>> -> memref<10240x128xf32, #tpu.memory_space<hbm>>
      tpu.wait_indirect_dma semaphore(%arg12 : memref<!tpu.dma_semaphore, #tpu.memory_space<semaphore_mem>>) src(%dma_wait3A_74 : memref<10240x128xf32, #tpu.memory_space<hbm>>) dst(%arg10 : memref<128x128xf32, #tpu.memory_space<vmem>>)
      "tpu.region"() ({
        %run_scoped3A = tpu.sem_alloc : memref<!tpu.dma_semaphore, #tpu.memory_space<semaphore_mem>>
        %dma_start3A_82 = arith.constant 0 : i32
        %dma_start3A_83 = tpu.memref_slice %arg8[%add3A_68, %dma_start3A_82] : memref<40x128xi32, #tpu.memory_space<vmem>> -> memref<1x128xi32, #tpu.memory_space<vmem>>
        %dma_start3A_84 = tpu.memref_squeeze %dma_start3A_83 : memref<1x128xi32, #tpu.memory_space<vmem>> -> memref<128xi32, #tpu.memory_space<vmem>>
        %dma_start3A_85 = arith.constant 0 : i32
        %dma_start3A_86 = arith.constant 0 : i32
        %dma_start3A_87 = tpu.memref_slice %arg13[%dma_start3A_85, %dma_start3A_86] : memref<10240x128xf32, #tpu.memory_space<vmem_shared>> -> memref<10240x128xf32, #tpu.memory_space<vmem_shared>>
        tpu.enqueue_indirect_dma source(%arg10 : memref<128x128xf32, #tpu.memory_space<vmem>>) target(%dma_start3A_87 : memref<10240x128xf32, #tpu.memory_space<vmem_shared>>) offsets(%dma_start3A_84 : memref<128xi32, #tpu.memory_space<vmem>>) semaphore(%run_scoped3A : memref<!tpu.dma_semaphore, #tpu.memory_space<semaphore_mem>>) {add = true}
        %dma_wait3A_88 = arith.constant 0 : i32
        %dma_wait3A_89 = tpu.memref_slice %arg8[%add3A_68, %dma_wait3A_88] : memref<40x128xi32, #tpu.memory_space<vmem>> -> memref<1x128xi32, #tpu.memory_space<vmem>>
        %dma_wait3A_90 = tpu.memref_squeeze %dma_wait3A_89 : memref<1x128xi32, #tpu.memory_space<vmem>> -> memref<128xi32, #tpu.memory_space<vmem>>
        %dma_wait3A_91 = arith.constant 0 : i32
        %dma_wait3A_92 = arith.constant 0 : i32
        %dma_wait3A_93 = tpu.memref_slice %arg13[%dma_wait3A_91, %dma_wait3A_92] : memref<10240x128xf32, #tpu.memory_space<vmem_shared>> -> memref<10240x128xf32, #tpu.memory_space<vmem_shared>>
        tpu.wait_indirect_dma semaphore(%run_scoped3A : memref<!tpu.dma_semaphore, #tpu.memory_space<semaphore_mem>>) src(%arg10 : memref<128x128xf32, #tpu.memory_space<vmem>>) dst(%dma_wait3A_93 : memref<10240x128xf32, #tpu.memory_space<vmem_shared>>)
        tpu.yield
      }) : () -> ()
      %add3A_75 = arith.constant 2 : i32
      %add3A_76 = arith.addi %add3A_68, %add3A_75 : i32
      %lt3A_77 = arith.constant 40 : i32
      %lt3A_78 = arith.cmpi slt, %add3A_76, %lt3A_77 : i32
      %convert_element_type3A_79 = arith.extui %lt3A_78 : i1 to i32
      %cond3A_80 = arith.constant 0 : i32
      %cond3A_81 = arith.cmpi ne, %convert_element_type3A_79, %cond3A_80 : i32
      scf.if %cond3A_81 {
        %add3A_82 = arith.constant 2 : i32
        %add3A_83 = arith.addi %add3A_68, %add3A_82 : i32
        %dma_start3A_84 = arith.constant 0 : i32
        %dma_start3A_85 = tpu.memref_slice %arg7[%add3A_83, %dma_start3A_84] : memref<40x128xi32, #tpu.memory_space<vmem>> -> memref<1x128xi32, #tpu.memory_space<vmem>>
        %dma_start3A_86 = tpu.memref_squeeze %dma_start3A_85 : memref<1x128xi32, #tpu.memory_space<vmem>> -> memref<128xi32, #tpu.memory_space<vmem>>
        %dma_start3A_87 = arith.constant 0 : i32
        %dma_start3A_88 = arith.constant 0 : i32
        %dma_start3A_89 = tpu.memref_slice %arg2[%dma_start3A_87, %dma_start3A_88] : memref<10240x128xf32, #tpu.memory_space<hbm>> -> memref<10240x128xf32, #tpu.memory_space<hbm>>
        tpu.enqueue_indirect_dma source(%dma_start3A_89 : memref<10240x128xf32, #tpu.memory_space<hbm>>) target(%arg10 : memref<128x128xf32, #tpu.memory_space<vmem>>) offsets(%dma_start3A_86 : memref<128xi32, #tpu.memory_space<vmem>>) semaphore(%arg12 : memref<!tpu.dma_semaphore, #tpu.memory_space<semaphore_mem>>)
      } else {
      }
    }
    %scan3A_49 = arith.constant 20 : i32
    %barrier3A_50 = arith.constant 0 : index
    tpu.barrier barrier_id(%barrier3A_50)
    "tpu.region"() ({
      %run_scoped3A = tpu.sem_alloc : memref<!tpu.dma_semaphore, #tpu.memory_space<semaphore_mem>>
      %dma_start3A_51 = arith.constant 0 : i32
      %dma_start3A_52 = tpu.memref_slice %arg6[%arg0, %multiple_of3A_5, %dma_start3A_51] : memref<2x10240x128xf32, #tpu.memory_space<hbm>> -> memref<1x640x128xf32, #tpu.memory_space<hbm>>
      %dma_start3A_53 = tpu.memref_squeeze %dma_start3A_52 : memref<1x640x128xf32, #tpu.memory_space<hbm>> -> memref<640x128xf32, #tpu.memory_space<hbm>>
      %dma_start3A_54 = arith.constant 0 : i32
      %dma_start3A_55 = tpu.memref_slice %arg13[%multiple_of3A_5, %dma_start3A_54] : memref<10240x128xf32, #tpu.memory_space<vmem_shared>> -> memref<640x128xf32, #tpu.memory_space<vmem_shared>>
      tpu.enqueue_dma source(%dma_start3A_55 : memref<640x128xf32, #tpu.memory_space<vmem_shared>>) target(%dma_start3A_53 : memref<640x128xf32, #tpu.memory_space<hbm>>) target_semaphore(%run_scoped3A : memref<!tpu.dma_semaphore, #tpu.memory_space<semaphore_mem>>)
      %dma_wait3A = arith.constant 0 : i32
      %dma_wait3A_56 = tpu.memref_slice %arg6[%arg0, %multiple_of3A_5, %dma_wait3A] : memref<2x10240x128xf32, #tpu.memory_space<hbm>> -> memref<1x640x128xf32, #tpu.memory_space<hbm>>
      %dma_wait3A_57 = tpu.memref_squeeze %dma_wait3A_56 : memref<1x640x128xf32, #tpu.memory_space<hbm>> -> memref<640x128xf32, #tpu.memory_space<hbm>>
      %dma_wait3A_58 = arith.constant 0 : i32
      %dma_wait3A_59 = tpu.memref_slice %arg13[%multiple_of3A_5, %dma_wait3A_58] : memref<10240x128xf32, #tpu.memory_space<vmem_shared>> -> memref<640x128xf32, #tpu.memory_space<vmem_shared>>
      tpu.wait_dma2 semaphore(%run_scoped3A : memref<!tpu.dma_semaphore, #tpu.memory_space<semaphore_mem>>) src(%dma_wait3A_59 : memref<640x128xf32, #tpu.memory_space<vmem_shared>>) dst(%dma_wait3A_57 : memref<640x128xf32, #tpu.memory_space<hbm>>)
      tpu.yield
    }) : () -> ()
    return
  }
}

module attributes {stable_mosaic.version = 14 : i64} {
  func.func @prep_body(%arg0: memref<10000x128xf32, #tpu.memory_space<vmem>>, %arg1: memref<10240x1xf32, #tpu.memory_space<vmem>>, %arg2: memref<10240x1xf32, #tpu.memory_space<vmem>>, %arg3: memref<10240x128xf32, #tpu.memory_space<vmem>>) attributes {dimension_semantics = [], scalar_prefetch = 0 : i64, scratch_operands = 0 : i64, tpu.core_type = #tpu.core_type<tc>} {
    %get3A = arith.constant 0 : index
    %get3A_0 = arith.constant 0 : index
    %get3A_1 = vector.load %arg1[%get3A, %get3A_0] : memref<10240x1xf32, #tpu.memory_space<vmem>>, vector<10240x1xf32>
    %get3A_2 = arith.constant 0 : index
    %get3A_3 = arith.constant 0 : index
    %get3A_4 = vector.load %arg2[%get3A_2, %get3A_3] : memref<10240x1xf32, #tpu.memory_space<vmem>>, vector<10240x1xf32>
    %add3A = arith.addf %get3A_1, %get3A_4 : vector<10240x1xf32>
    %max3A = arith.constant 1.000000e+00 : f32
    %max3A_5 = vector.broadcast %max3A : f32 to vector<10240x1xf32>
    %max3A_6 = arith.maximumf %add3A, %max3A_5 : vector<10240x1xf32>
    %rsqrt3A = math.rsqrt %max3A_6 : vector<10240x1xf32>
    %slice3A = vector.extract_strided_slice %rsqrt3A {offsets = [0, 0], sizes = [10000, 1], strides = [1, 1]} : vector<10240x1xf32> to vector<10000x1xf32>
    %get3A_7 = arith.constant 0 : index
    %get3A_8 = arith.constant 0 : index
    %get3A_9 = vector.load %arg0[%get3A_7, %get3A_8] : memref<10000x128xf32, #tpu.memory_space<vmem>>, vector<10000x128xf32>
    %mul3A = vector.broadcast %slice3A : vector<10000x1xf32> to vector<10000x128xf32>
    %mul3A_10 = arith.mulf %get3A_9, %mul3A : vector<10000x128xf32>
    %swap3A = arith.constant 0 : index
    %swap3A_11 = arith.constant 0 : index
    %swap3A_12 = vector.load %arg3[%swap3A, %swap3A_11] : memref<10240x128xf32, #tpu.memory_space<vmem>>, vector<10000x128xf32>
    tpu.vector_store %arg3[%swap3A, %swap3A_11], %mul3A_10 {strides = array<i32>} : memref<10240x128xf32, #tpu.memory_space<vmem>>, vector<10000x128xf32>,
    %broadcast_in_dim3A = arith.constant 0.000000e+00 : f32
    %broadcast_in_dim3A_13 = vector.broadcast %broadcast_in_dim3A : f32 to vector<240x128xf32>
    %swap3A_14 = arith.constant 10000 : index
    %swap3A_15 = arith.constant 0 : index
    %swap3A_16 = vector.load %arg3[%swap3A_14, %swap3A_15] : memref<10240x128xf32, #tpu.memory_space<vmem>>, vector<240x128xf32>
    tpu.vector_store %arg3[%swap3A_14, %swap3A_15], %broadcast_in_dim3A_13 {strides = array<i32>} : memref<10240x128xf32, #tpu.memory_space<vmem>>, vector<240x128xf32>,
    return
  }
}

module attributes {stable_mosaic.version = 14 : i64} {
  func.func @layer_body(%arg0: memref<2x10240x128xf32, #tpu.memory_space<vmem>>, %arg1: memref<10240x1xf32, #tpu.memory_space<vmem>>, %arg2: memref<10240x1xf32, #tpu.memory_space<vmem>>, %arg3: memref<10240x1xf32, #tpu.memory_space<vmem>>, %arg4: memref<10240x1xf32, #tpu.memory_space<vmem>>, %arg5: memref<128x128xf32, #tpu.memory_space<vmem>>, %arg6: memref<1x128xf32, #tpu.memory_space<vmem>>, %arg7: memref<1x128xf32, #tpu.memory_space<vmem>>, %arg8: memref<1x128xf32, #tpu.memory_space<vmem>>, %arg9: memref<1x128xf32, #tpu.memory_space<vmem>>, %arg10: memref<1x128xf32, #tpu.memory_space<vmem>>, %arg11: memref<1x128xf32, #tpu.memory_space<vmem>>, %arg12: memref<10000x128xf32, #tpu.memory_space<vmem>>, %arg13: memref<1x128xf32, #tpu.memory_space<vmem>>) attributes {dimension_semantics = [], scalar_prefetch = 0 : i64, scratch_operands = 0 : i64, tpu.core_type = #tpu.core_type<tc>} {
    %get3A = arith.constant 0 : index
    %get3A_0 = arith.constant 0 : index
    %get3A_1 = vector.load %arg1[%get3A, %get3A_0] : memref<10240x1xf32, #tpu.memory_space<vmem>>, vector<10240x1xf32>
    %get3A_2 = arith.constant 0 : index
    %get3A_3 = arith.constant 0 : index
    %get3A_4 = vector.load %arg2[%get3A_2, %get3A_3] : memref<10240x1xf32, #tpu.memory_space<vmem>>, vector<10240x1xf32>
    %add3A = arith.addf %get3A_1, %get3A_4 : vector<10240x1xf32>
    %max3A = arith.constant 1.000000e+00 : f32
    %max3A_5 = vector.broadcast %max3A : f32 to vector<10240x1xf32>
    %max3A_6 = arith.maximumf %add3A, %max3A_5 : vector<10240x1xf32>
    %rsqrt3A = math.rsqrt %max3A_6 : vector<10240x1xf32>
    %slice3A = vector.extract_strided_slice %rsqrt3A {offsets = [0, 0], sizes = [10000, 1], strides = [1, 1]} : vector<10240x1xf32> to vector<10000x1xf32>
    %get3A_7 = arith.constant 0 : index
    %get3A_8 = arith.constant 0 : index
    %get3A_9 = arith.constant 0 : index
    %get3A_10 = vector.load %arg0[%get3A_7, %get3A_8, %get3A_9] : memref<2x10240x128xf32, #tpu.memory_space<vmem>>, vector<1x10000x128xf32>
    %get3A_11 = vector.shape_cast %get3A_10 : vector<1x10000x128xf32> to vector<10000x128xf32>
    %get3A_12 = arith.constant 1 : index
    %get3A_13 = arith.constant 0 : index
    %get3A_14 = arith.constant 0 : index
    %get3A_15 = vector.load %arg0[%get3A_12, %get3A_13, %get3A_14] : memref<2x10240x128xf32, #tpu.memory_space<vmem>>, vector<1x10000x128xf32>
    %get3A_16 = vector.shape_cast %get3A_15 : vector<1x10000x128xf32> to vector<10000x128xf32>
    %add3A_17 = arith.addf %get3A_11, %get3A_16 : vector<10000x128xf32>
    %mul3A = vector.broadcast %slice3A : vector<10000x1xf32> to vector<10000x128xf32>
    %mul3A_18 = arith.mulf %add3A_17, %mul3A : vector<10000x128xf32>
    %get3A_19 = arith.constant 0 : index
    %get3A_20 = arith.constant 0 : index
    %get3A_21 = vector.load %arg5[%get3A_19, %get3A_20] : memref<128x128xf32, #tpu.memory_space<vmem>>, vector<128x128xf32>
    %dot_general3A = arith.constant dense<0.000000e+00> : vector<10000x128xf32>
    %dot_general3A_22 = tpu.matmul %mul3A_18, %get3A_21, %dot_general3A {dimension_numbers = #tpu.dot_dimension_numbers<[1], [0], [0], [1], [0, 0, 1, 1], [], []>, transpose_lhs_hint = false} : vector<10000x128xf32>, vector<128x128xf32>, vector<10000x128xf32> -> vector<10000x128xf32>
    %get3A_23 = arith.constant 0 : index
    %get3A_24 = arith.constant 0 : index
    %get3A_25 = vector.load %arg6[%get3A_23, %get3A_24] : memref<1x128xf32, #tpu.memory_space<vmem>>, vector<1x128xf32>
    %add3A_26 = vector.broadcast %get3A_25 : vector<1x128xf32> to vector<10000x128xf32>
    %add3A_27 = arith.addf %dot_general3A_22, %add3A_26 : vector<10000x128xf32>
    %get3A_28 = arith.constant 0 : index
    %get3A_29 = arith.constant 0 : index
    %get3A_30 = vector.load %arg7[%get3A_28, %get3A_29] : memref<1x128xf32, #tpu.memory_space<vmem>>, vector<1x128xf32>
    %ge3A = arith.constant 0.000000e+00 : f32
    %ge3A_31 = vector.broadcast %ge3A : f32 to vector<10000x128xf32>
    %ge3A_32 = arith.cmpf oge, %add3A_27, %ge3A_31 : vector<10000x128xf32>
    %mul3A_33 = vector.broadcast %get3A_30 : vector<1x128xf32> to vector<10000x128xf32>
    %mul3A_34 = arith.mulf %add3A_27, %mul3A_33 : vector<10000x128xf32>
    %select_n3A = arith.select %ge3A_32, %add3A_27, %mul3A_34 : vector<10000x128xi1>, vector<10000x128xf32>
    %reduce_sum3A = arith.constant dense<0.000000e+00> : vector<128xf32>
    %reduce_sum3A_35 = vector.multi_reduction <add>, %select_n3A, %reduce_sum3A [0] : vector<10000x128xf32> to vector<128xf32>
    %broadcast_in_dim3A = vector.shape_cast %reduce_sum3A_35 : vector<128xf32> to vector<1x128xf32>
    %div3A = arith.constant 1.000000e+04 : f32
    %div3A_36 = vector.broadcast %div3A : f32 to vector<1x128xf32>
    %div3A_37 = arith.divf %broadcast_in_dim3A, %div3A_36 : vector<1x128xf32>
    %mul3A_38 = arith.mulf %select_n3A, %select_n3A : vector<10000x128xf32>
    %reduce_sum3A_39 = arith.constant dense<0.000000e+00> : vector<128xf32>
    %reduce_sum3A_40 = vector.multi_reduction <add>, %mul3A_38, %reduce_sum3A_39 [0] : vector<10000x128xf32> to vector<128xf32>
    %broadcast_in_dim3A_41 = vector.shape_cast %reduce_sum3A_40 : vector<128xf32> to vector<1x128xf32>
    %div3A_42 = arith.constant 1.000000e+04 : f32
    %div3A_43 = vector.broadcast %div3A_42 : f32 to vector<1x128xf32>
    %div3A_44 = arith.divf %broadcast_in_dim3A_41, %div3A_43 : vector<1x128xf32>
    %mul3A_45 = arith.mulf %div3A_37, %div3A_37 : vector<1x128xf32>
    %sub3A = arith.subf %div3A_44, %mul3A_45 : vector<1x128xf32>
    %sub3A_46 = vector.broadcast %div3A_37 : vector<1x128xf32> to vector<10000x128xf32>
    %sub3A_47 = arith.subf %select_n3A, %sub3A_46 : vector<10000x128xf32>
    %add3A_48 = arith.constant 9.99999974E-6 : f32
    %add3A_49 = vector.broadcast %add3A_48 : f32 to vector<1x128xf32>
    %add3A_50 = arith.addf %sub3A, %add3A_49 : vector<1x128xf32>
    %rsqrt3A_51 = math.rsqrt %add3A_50 : vector<1x128xf32>
    %mul3A_52 = vector.broadcast %rsqrt3A_51 : vector<1x128xf32> to vector<10000x128xf32>
    %mul3A_53 = arith.mulf %sub3A_47, %mul3A_52 : vector<10000x128xf32>
    %get3A_54 = arith.constant 0 : index
    %get3A_55 = arith.constant 0 : index
    %get3A_56 = vector.load %arg8[%get3A_54, %get3A_55] : memref<1x128xf32, #tpu.memory_space<vmem>>, vector<1x128xf32>
    %mul3A_57 = vector.broadcast %get3A_56 : vector<1x128xf32> to vector<10000x128xf32>
    %mul3A_58 = arith.mulf %mul3A_53, %mul3A_57 : vector<10000x128xf32>
    %get3A_59 = arith.constant 0 : index
    %get3A_60 = arith.constant 0 : index
    %get3A_61 = vector.load %arg9[%get3A_59, %get3A_60] : memref<1x128xf32, #tpu.memory_space<vmem>>, vector<1x128xf32>
    %add3A_62 = vector.broadcast %get3A_61 : vector<1x128xf32> to vector<10000x128xf32>
    %add3A_63 = arith.addf %mul3A_58, %add3A_62 : vector<10000x128xf32>
    %get3A_64 = arith.constant 0 : index
    %get3A_65 = arith.constant 0 : index
    %get3A_66 = vector.load %arg10[%get3A_64, %get3A_65] : memref<1x128xf32, #tpu.memory_space<vmem>>, vector<1x128xf32>
    %ge3A_67 = arith.constant 0.000000e+00 : f32
    %ge3A_68 = vector.broadcast %ge3A_67 : f32 to vector<10000x128xf32>
    %ge3A_69 = arith.cmpf oge, %add3A_63, %ge3A_68 : vector<10000x128xf32>
    %mul3A_70 = vector.broadcast %get3A_66 : vector<1x128xf32> to vector<10000x128xf32>
    %mul3A_71 = arith.mulf %add3A_63, %mul3A_70 : vector<10000x128xf32>
    %select_n3A_72 = arith.select %ge3A_69, %add3A_63, %mul3A_71 : vector<10000x128xi1>, vector<10000x128xf32>
    %reduce_sum3A_73 = arith.constant dense<0.000000e+00> : vector<128xf32>
    %reduce_sum3A_74 = vector.multi_reduction <add>, %select_n3A_72, %reduce_sum3A_73 [0] : vector<10000x128xf32> to vector<128xf32>
    %broadcast_in_dim3A_75 = vector.shape_cast %reduce_sum3A_74 : vector<128xf32> to vector<1x128xf32>
    %swap3A = arith.constant 0 : index
    %swap3A_76 = arith.constant 0 : index
    %swap3A_77 = vector.load %arg12[%swap3A, %swap3A_76] : memref<10000x128xf32, #tpu.memory_space<vmem>>, vector<10000x128xf32>
    tpu.vector_store %arg12[%swap3A, %swap3A_76], %select_n3A_72 {strides = array<i32>} : memref<10000x128xf32, #tpu.memory_space<vmem>>, vector<10000x128xf32>,
    %get3A_78 = arith.constant 0 : index
    %get3A_79 = arith.constant 0 : index
    %get3A_80 = vector.load %arg11[%get3A_78, %get3A_79] : memref<1x128xf32, #tpu.memory_space<vmem>>, vector<1x128xf32>
    %add3A_81 = arith.addf %broadcast_in_dim3A_75, %get3A_80 : vector<1x128xf32>
    %swap3A_82 = arith.constant 0 : index
    %swap3A_83 = arith.constant 0 : index
    %swap3A_84 = vector.load %arg13[%swap3A_82, %swap3A_83] : memref<1x128xf32, #tpu.memory_space<vmem>>, vector<1x128xf32>
    tpu.vector_store %arg13[%swap3A_82, %swap3A_83], %add3A_81 {strides = array<i32>} : memref<1x128xf32, #tpu.memory_space<vmem>>, vector<1x128xf32>,
    return
  }
}

module attributes {stable_mosaic.version = 14 : i64} {
  func.func @layer_body(%arg0: memref<2x10240x128xf32, #tpu.memory_space<vmem>>, %arg1: memref<10240x1xf32, #tpu.memory_space<vmem>>, %arg2: memref<10240x1xf32, #tpu.memory_space<vmem>>, %arg3: memref<10240x1xf32, #tpu.memory_space<vmem>>, %arg4: memref<10240x1xf32, #tpu.memory_space<vmem>>, %arg5: memref<128x128xf32, #tpu.memory_space<vmem>>, %arg6: memref<1x128xf32, #tpu.memory_space<vmem>>, %arg7: memref<1x128xf32, #tpu.memory_space<vmem>>, %arg8: memref<1x128xf32, #tpu.memory_space<vmem>>, %arg9: memref<1x128xf32, #tpu.memory_space<vmem>>, %arg10: memref<1x128xf32, #tpu.memory_space<vmem>>, %arg11: memref<1x128xf32, #tpu.memory_space<vmem>>, %arg12: memref<10240x128xf32, #tpu.memory_space<vmem>>, %arg13: memref<1x128xf32, #tpu.memory_space<vmem>>) attributes {dimension_semantics = [], scalar_prefetch = 0 : i64, scratch_operands = 0 : i64, tpu.core_type = #tpu.core_type<tc>} {
    %get3A = arith.constant 0 : index
    %get3A_0 = arith.constant 0 : index
    %get3A_1 = vector.load %arg1[%get3A, %get3A_0] : memref<10240x1xf32, #tpu.memory_space<vmem>>, vector<10240x1xf32>
    %get3A_2 = arith.constant 0 : index
    %get3A_3 = arith.constant 0 : index
    %get3A_4 = vector.load %arg2[%get3A_2, %get3A_3] : memref<10240x1xf32, #tpu.memory_space<vmem>>, vector<10240x1xf32>
    %add3A = arith.addf %get3A_1, %get3A_4 : vector<10240x1xf32>
    %max3A = arith.constant 1.000000e+00 : f32
    %max3A_5 = vector.broadcast %max3A : f32 to vector<10240x1xf32>
    %max3A_6 = arith.maximumf %add3A, %max3A_5 : vector<10240x1xf32>
    %rsqrt3A = math.rsqrt %max3A_6 : vector<10240x1xf32>
    %slice3A = vector.extract_strided_slice %rsqrt3A {offsets = [0, 0], sizes = [10000, 1], strides = [1, 1]} : vector<10240x1xf32> to vector<10000x1xf32>
    %get3A_7 = arith.constant 0 : index
    %get3A_8 = arith.constant 0 : index
    %get3A_9 = arith.constant 0 : index
    %get3A_10 = vector.load %arg0[%get3A_7, %get3A_8, %get3A_9] : memref<2x10240x128xf32, #tpu.memory_space<vmem>>, vector<1x10000x128xf32>
    %get3A_11 = vector.shape_cast %get3A_10 : vector<1x10000x128xf32> to vector<10000x128xf32>
    %get3A_12 = arith.constant 1 : index
    %get3A_13 = arith.constant 0 : index
    %get3A_14 = arith.constant 0 : index
    %get3A_15 = vector.load %arg0[%get3A_12, %get3A_13, %get3A_14] : memref<2x10240x128xf32, #tpu.memory_space<vmem>>, vector<1x10000x128xf32>
    %get3A_16 = vector.shape_cast %get3A_15 : vector<1x10000x128xf32> to vector<10000x128xf32>
    %add3A_17 = arith.addf %get3A_11, %get3A_16 : vector<10000x128xf32>
    %mul3A = vector.broadcast %slice3A : vector<10000x1xf32> to vector<10000x128xf32>
    %mul3A_18 = arith.mulf %add3A_17, %mul3A : vector<10000x128xf32>
    %get3A_19 = arith.constant 0 : index
    %get3A_20 = arith.constant 0 : index
    %get3A_21 = vector.load %arg5[%get3A_19, %get3A_20] : memref<128x128xf32, #tpu.memory_space<vmem>>, vector<128x128xf32>
    %dot_general3A = arith.constant dense<0.000000e+00> : vector<10000x128xf32>
    %dot_general3A_22 = tpu.matmul %mul3A_18, %get3A_21, %dot_general3A {dimension_numbers = #tpu.dot_dimension_numbers<[1], [0], [0], [1], [0, 0, 1, 1], [], []>, transpose_lhs_hint = false} : vector<10000x128xf32>, vector<128x128xf32>, vector<10000x128xf32> -> vector<10000x128xf32>
    %get3A_23 = arith.constant 0 : index
    %get3A_24 = arith.constant 0 : index
    %get3A_25 = vector.load %arg6[%get3A_23, %get3A_24] : memref<1x128xf32, #tpu.memory_space<vmem>>, vector<1x128xf32>
    %add3A_26 = vector.broadcast %get3A_25 : vector<1x128xf32> to vector<10000x128xf32>
    %add3A_27 = arith.addf %dot_general3A_22, %add3A_26 : vector<10000x128xf32>
    %get3A_28 = arith.constant 0 : index
    %get3A_29 = arith.constant 0 : index
    %get3A_30 = vector.load %arg7[%get3A_28, %get3A_29] : memref<1x128xf32, #tpu.memory_space<vmem>>, vector<1x128xf32>
    %ge3A = arith.constant 0.000000e+00 : f32
    %ge3A_31 = vector.broadcast %ge3A : f32 to vector<10000x128xf32>
    %ge3A_32 = arith.cmpf oge, %add3A_27, %ge3A_31 : vector<10000x128xf32>
    %mul3A_33 = vector.broadcast %get3A_30 : vector<1x128xf32> to vector<10000x128xf32>
    %mul3A_34 = arith.mulf %add3A_27, %mul3A_33 : vector<10000x128xf32>
    %select_n3A = arith.select %ge3A_32, %add3A_27, %mul3A_34 : vector<10000x128xi1>, vector<10000x128xf32>
    %reduce_sum3A = arith.constant dense<0.000000e+00> : vector<128xf32>
    %reduce_sum3A_35 = vector.multi_reduction <add>, %select_n3A, %reduce_sum3A [0] : vector<10000x128xf32> to vector<128xf32>
    %broadcast_in_dim3A = vector.shape_cast %reduce_sum3A_35 : vector<128xf32> to vector<1x128xf32>
    %div3A = arith.constant 1.000000e+04 : f32
    %div3A_36 = vector.broadcast %div3A : f32 to vector<1x128xf32>
    %div3A_37 = arith.divf %broadcast_in_dim3A, %div3A_36 : vector<1x128xf32>
    %mul3A_38 = arith.mulf %select_n3A, %select_n3A : vector<10000x128xf32>
    %reduce_sum3A_39 = arith.constant dense<0.000000e+00> : vector<128xf32>
    %reduce_sum3A_40 = vector.multi_reduction <add>, %mul3A_38, %reduce_sum3A_39 [0] : vector<10000x128xf32> to vector<128xf32>
    %broadcast_in_dim3A_41 = vector.shape_cast %reduce_sum3A_40 : vector<128xf32> to vector<1x128xf32>
    %div3A_42 = arith.constant 1.000000e+04 : f32
    %div3A_43 = vector.broadcast %div3A_42 : f32 to vector<1x128xf32>
    %div3A_44 = arith.divf %broadcast_in_dim3A_41, %div3A_43 : vector<1x128xf32>
    %mul3A_45 = arith.mulf %div3A_37, %div3A_37 : vector<1x128xf32>
    %sub3A = arith.subf %div3A_44, %mul3A_45 : vector<1x128xf32>
    %sub3A_46 = vector.broadcast %div3A_37 : vector<1x128xf32> to vector<10000x128xf32>
    %sub3A_47 = arith.subf %select_n3A, %sub3A_46 : vector<10000x128xf32>
    %add3A_48 = arith.constant 9.99999974E-6 : f32
    %add3A_49 = vector.broadcast %add3A_48 : f32 to vector<1x128xf32>
    %add3A_50 = arith.addf %sub3A, %add3A_49 : vector<1x128xf32>
    %rsqrt3A_51 = math.rsqrt %add3A_50 : vector<1x128xf32>
    %mul3A_52 = vector.broadcast %rsqrt3A_51 : vector<1x128xf32> to vector<10000x128xf32>
    %mul3A_53 = arith.mulf %sub3A_47, %mul3A_52 : vector<10000x128xf32>
    %get3A_54 = arith.constant 0 : index
    %get3A_55 = arith.constant 0 : index
    %get3A_56 = vector.load %arg8[%get3A_54, %get3A_55] : memref<1x128xf32, #tpu.memory_space<vmem>>, vector<1x128xf32>
    %mul3A_57 = vector.broadcast %get3A_56 : vector<1x128xf32> to vector<10000x128xf32>
    %mul3A_58 = arith.mulf %mul3A_53, %mul3A_57 : vector<10000x128xf32>
    %get3A_59 = arith.constant 0 : index
    %get3A_60 = arith.constant 0 : index
    %get3A_61 = vector.load %arg9[%get3A_59, %get3A_60] : memref<1x128xf32, #tpu.memory_space<vmem>>, vector<1x128xf32>
    %add3A_62 = vector.broadcast %get3A_61 : vector<1x128xf32> to vector<10000x128xf32>
    %add3A_63 = arith.addf %mul3A_58, %add3A_62 : vector<10000x128xf32>
    %get3A_64 = arith.constant 0 : index
    %get3A_65 = arith.constant 0 : index
    %get3A_66 = vector.load %arg10[%get3A_64, %get3A_65] : memref<1x128xf32, #tpu.memory_space<vmem>>, vector<1x128xf32>
    %ge3A_67 = arith.constant 0.000000e+00 : f32
    %ge3A_68 = vector.broadcast %ge3A_67 : f32 to vector<10000x128xf32>
    %ge3A_69 = arith.cmpf oge, %add3A_63, %ge3A_68 : vector<10000x128xf32>
    %mul3A_70 = vector.broadcast %get3A_66 : vector<1x128xf32> to vector<10000x128xf32>
    %mul3A_71 = arith.mulf %add3A_63, %mul3A_70 : vector<10000x128xf32>
    %select_n3A_72 = arith.select %ge3A_69, %add3A_63, %mul3A_71 : vector<10000x128xi1>, vector<10000x128xf32>
    %reduce_sum3A_73 = arith.constant dense<0.000000e+00> : vector<128xf32>
    %reduce_sum3A_74 = vector.multi_reduction <add>, %select_n3A_72, %reduce_sum3A_73 [0] : vector<10000x128xf32> to vector<128xf32>
    %broadcast_in_dim3A_75 = vector.shape_cast %reduce_sum3A_74 : vector<128xf32> to vector<1x128xf32>
    %get3A_76 = arith.constant 0 : index
    %get3A_77 = arith.constant 0 : index
    %get3A_78 = vector.load %arg3[%get3A_76, %get3A_77] : memref<10240x1xf32, #tpu.memory_space<vmem>>, vector<10240x1xf32>
    %get3A_79 = arith.constant 0 : index
    %get3A_80 = arith.constant 0 : index
    %get3A_81 = vector.load %arg4[%get3A_79, %get3A_80] : memref<10240x1xf32, #tpu.memory_space<vmem>>, vector<10240x1xf32>
    %add3A_82 = arith.addf %get3A_78, %get3A_81 : vector<10240x1xf32>
    %max3A_83 = arith.constant 1.000000e+00 : f32
    %max3A_84 = vector.broadcast %max3A_83 : f32 to vector<10240x1xf32>
    %max3A_85 = arith.maximumf %add3A_82, %max3A_84 : vector<10240x1xf32>
    %rsqrt3A_86 = math.rsqrt %max3A_85 : vector<10240x1xf32>
    %slice3A_87 = vector.extract_strided_slice %rsqrt3A_86 {offsets = [0, 0], sizes = [10000, 1], strides = [1, 1]} : vector<10240x1xf32> to vector<10000x1xf32>
    %mul3A_88 = vector.broadcast %slice3A_87 : vector<10000x1xf32> to vector<10000x128xf32>
    %mul3A_89 = arith.mulf %select_n3A_72, %mul3A_88 : vector<10000x128xf32>
    %swap3A = arith.constant 0 : index
    %swap3A_90 = arith.constant 0 : index
    %swap3A_91 = vector.load %arg12[%swap3A, %swap3A_90] : memref<10240x128xf32, #tpu.memory_space<vmem>>, vector<10000x128xf32>
    tpu.vector_store %arg12[%swap3A, %swap3A_90], %mul3A_89 {strides = array<i32>} : memref<10240x128xf32, #tpu.memory_space<vmem>>, vector<10000x128xf32>,
    %broadcast_in_dim3A_92 = arith.constant 0.000000e+00 : f32
    %broadcast_in_dim3A_93 = vector.broadcast %broadcast_in_dim3A_92 : f32 to vector<240x128xf32>
    %swap3A_94 = arith.constant 10000 : index
    %swap3A_95 = arith.constant 0 : index
    %swap3A_96 = vector.load %arg12[%swap3A_94, %swap3A_95] : memref<10240x128xf32, #tpu.memory_space<vmem>>, vector<240x128xf32>
    tpu.vector_store %arg12[%swap3A_94, %swap3A_95], %broadcast_in_dim3A_93 {strides = array<i32>} : memref<10240x128xf32, #tpu.memory_space<vmem>>, vector<240x128xf32>,
    %get3A_97 = arith.constant 0 : index
    %get3A_98 = arith.constant 0 : index
    %get3A_99 = vector.load %arg11[%get3A_97, %get3A_98] : memref<1x128xf32, #tpu.memory_space<vmem>>, vector<1x128xf32>
    %add3A_100 = arith.addf %broadcast_in_dim3A_75, %get3A_99 : vector<1x128xf32>
    %swap3A_101 = arith.constant 0 : index
    %swap3A_102 = arith.constant 0 : index
    %swap3A_103 = vector.load %arg13[%swap3A_101, %swap3A_102] : memref<1x128xf32, #tpu.memory_space<vmem>>, vector<1x128xf32>
    tpu.vector_store %arg13[%swap3A_101, %swap3A_102], %add3A_100 {strides = array<i32>} : memref<1x128xf32, #tpu.memory_space<vmem>>, vector<1x128xf32>,
    return
  }
}

</mosaic_0001>

<sc_bundles>
// kernel: kernel.11.cloned.1.call-start
scs
__scs_entry_jumppad:
0x0: {  	(pc) =	sbr.rel $0x88, $3  }
0x1: {  	(tag) =	ssettag $0x0;
	lr =	simm.s32 $0x1  }
0x2: {  	[smem:$0x3F93] =	sst lr;
	_ =	strace $0xD0000000  }
0x3: {  	_ = 	snop  }
0x4: {  	_ = 	snop  }
0x5: {  	_ = 	snop  }
0x6: {  	_ = 	snop  }
0x7: {  	_ = 	snop  }
__scs_overlays_trampoline_lowered:
0x8: {  	[smem:$0x3FA2] =	sst s0  }
0x9: {  	[smem:$0x3FA3] =	sst s1  }
0xa: {  	[smem:$0x3FA4] =	sst s2  }
0xb: {  	[smem:$0x3FA5] =	sst s3  }
0xc: {  	[smem:$0x3FA6] =	sst s4  }
0xd: {  	[smem:$0x3FA7] =	sst s5  }
0xe: {  	[smem:$0x3FA8] =	sst s6  }
0xf: {  	[smem:$0x3FA9] =	sst s7  }
0x10: {  	[smem:$0x3FAA] =	sst s8  }
0x11: {  	[smem:$0x3FAB] =	sst s9;
	s0 =	simm.s32 @!p0 $0x0  }
0x12: {  	s1 =	sld [smem:$0x3F91];
	s0 =	simm.s32 @p0 $0x1  }
0x13: {  	[smem:$0x3FAC] =	sst s0;
	s0 =	simm.s32 @!p1 $0x0  }
0x14: {  	s2 =	sld [smem:$0x3F90];
	s0 =	simm.s32 @p1 $0x1  }
0x15: {  	[smem:$0x3FAD] =	sst s0;
	s0 =	simm.s32 @!p2 $0x0  }
0x16: {  	s3 =	sld [smem:$0x3FDB];
	s0 =	simm.s32 @p2 $0x1  }
0x17: {  	s4 =	simm.s32 $0x1BF5;
	[smem:$0x3FAF] =	sst s0  }
0x18: {  	s0 =	sld [smem:$0x3F92];
	_ =	swait.ge [sflag:s4], $0x0  }
0x19: {  	s7 =	sld [smem:$0x3F93]  }
0x1a: {  	s8 =	sadd.s32 $0xFFFFE003, lr  }
0x1b: {  	s9 =	sadd.s32 $0xFFFFFEF7, lr;
	s5 =	simm.s32 $0xFFFFFFFF;
	p2 =	slt.u32 s8, $0xFFFFF086  }
0x1c: {  	p1 =	slt.u32 s9, $0xF7A;
	s5 =	simm.s32 @!p2 $0x0  }
0x1d: {  	s5 =	simm.s32 @p1 $0x1;
	p0 =	seq.s32 s7, s2  }
0x1e: {  	s7 =	smul.u32 @!p0 $0xF7A, s2;
	p2 =	seq.s32 @!p0 s5, $0x0  }
0x1f: {  	s9 =	smul.u32 $0xF7A, s1;
	s8 =	simm.s32 @!p0 $0x1BF5;
	p2 =	por !p2, p0  }
0x20: {  	[sflag:s8] =	ssyncset.s32 @!p0 $0xFFFFF086;
	s6 =	sadd.s32 @!p0 s3, s7;
	s7 =	simm.s32 @!p0 $0x108  }
0x21: {  	s3 =	sadd.s32 s3, s9;
	s6 =	sadd.s32 @!p0 $0x88, s6;
	s7 =	simm.s32 @p2 $0x1082  }
0x22: {  	[simem:s7], [sflag:s8] =	dma.local @!p0 [hbm:s6], $0xF7A  }
0x23: {  	s9 =	sor.u32 $0xD0000000, s2;
	s6 =	simm.s32 $0x108;
	_ =	swait.ge @!p0 [sflag:s8], $0x0  }
0x24: {  	s3 =	sadd.s32 $0x88, s3;
	s6 =	simm.s32 @!p1 $0x1082;
	[sflag:s4] =	ssyncset.s32 $0xFFFFF086  }
0x25: {  	[simem:s6], [sflag:s4] =	dma.local [hbm:s3], $0xF7A  }
0x26: {  	[smem:$0x3F93] =	sst s1;
	(tag) =	ssettag s2;
	_ =	strace s9  }
0x27: {  	s1 =	sld [smem:$0x3FA3]  }
0x28: {  	s2 =	sld [smem:$0x3FA4]  }
0x29: {  	s4 =	sld [smem:$0x3FA6]  }
0x2a: {  	p0 =	seq.s32 s5, $0x0;
	s5 =	sld [smem:$0x3FA7]  }
0x2b: {  	s6 =	sld [smem:$0x3FA8]  }
0x2c: {  	s7 =	sld [smem:$0x3FA9]  }
0x2d: {  	s3 =	simm.s32 $0x108;
	s8 =	sld [smem:$0x3FAA]  }
0x2e: {  	s3 =	simm.s32 @!p0 $0x1082;
	s9 =	sld [smem:$0x3FAB]  }
0x2f: {  	lr =	sadd.s32 s0, s3;
	s0 =	sld [smem:$0x3FA2]  }
0x30: {  	s3 =	sld [smem:$0x3FA5]  }
0x31: {  	[smem:$0x3FAE] =	sst s10  }
0x32: {  	s10 =	sld [smem:$0x3FAC];
	_ =	sdelay $0x3  }
0x33: {  	p0 =	seq.s32 s10, $0x1;
	s10 =	sld [smem:$0x3FAE];
	_ =	sdelay $0x3  }
0x34: {  	[smem:$0x3FAE] =	sst s10  }
0x35: {  	s10 =	sld [smem:$0x3FAD];
	_ =	sdelay $0x3  }
0x36: {  	p1 =	seq.s32 s10, $0x1;
	s10 =	sld [smem:$0x3FAE];
	_ =	sdelay $0x3  }
0x37: {  	[smem:$0x3FAE] =	sst s10  }
0x38: {  	s10 =	sld [smem:$0x3FAF]  }
0x39: {  	_ = 	snop;
	(pc) =	sbr.ind lr, $3  }
0x3a: {  	_ = 	snop  }
0x3b: {  	_ = 	snop  }
0x3c: {  	p2 =	seq.s32 s10, $0x1;
	s10 =	sld [smem:$0x3FAE]  }
0x3d: {  	_ =	shalt  }
0x3e: {  	_ =	shalt  }
0x3f: {  	_ =	shalt  }
0x40: {  	_ =	shalt  }
0x41: {  	_ =	shalt  }
0x42: {  	_ =	shalt  }
0x43: {  	_ =	shalt  }
0x44: {  	_ =	shalt  }
0x45: {  	_ =	shalt  }
0x46: {  	_ =	shalt  }
0x47: {  	_ =	shalt  }
0x48: {  	_ =	shalt  }
0x49: {  	_ =	shalt  }
0x4a: {  	_ =	shalt  }
0x4b: {  	_ =	shalt  }
0x4c: {  	_ =	shalt  }
0x4d: {  	_ =	shalt  }
0x4e: {  	_ =	shalt  }
0x4f: {  	_ =	shalt  }
0x50: {  	_ =	shalt  }
0x51: {  	_ =	shalt  }
0x52: {  	_ =	shalt  }
0x53: {  	_ =	shalt  }
0x54: {  	_ =	shalt  }
0x55: {  	_ =	shalt  }
0x56: {  	_ =	shalt  }
0x57: {  	_ =	shalt  }
0x58: {  	_ =	shalt  }
0x59: {  	_ =	shalt  }
0x5a: {  	_ =	shalt  }
0x5b: {  	_ =	shalt  }
0x5c: {  	_ =	shalt  }
0x5d: {  	_ =	shalt  }
0x5e: {  	_ =	shalt  }
0x5f: {  	_ =	shalt  }
0x60: {  	_ =	shalt  }
0x61: {  	_ =	shalt  }
0x62: {  	_ =	shalt  }
0x63: {  	_ =	shalt  }
0x64: {  	_ =	shalt  }
0x65: {  	_ =	shalt  }
0x66: {  	_ =	shalt  }
0x67: {  	_ =	shalt  }
0x68: {  	_ =	shalt  }
0x69: {  	_ =	shalt  }
0x6a: {  	_ =	shalt  }
0x6b: {  	_ =	shalt  }
0x6c: {  	_ =	shalt  }
0x6d: {  	_ =	shalt  }
0x6e: {  	_ =	shalt  }
0x6f: {  	_ =	shalt  }
0x70: {  	_ =	shalt  }
0x71: {  	_ =	shalt  }
0x72: {  	_ =	shalt  }
0x73: {  	_ =	shalt  }
0x74: {  	_ =	shalt  }
0x75: {  	_ =	shalt  }
0x76: {  	_ =	shalt  }
0x77: {  	_ =	shalt  }
0x78: {  	_ =	shalt  }
0x79: {  	_ =	shalt  }
0x7a: {  	_ =	shalt  }
0x7b: {  	_ =	shalt  }
0x7c: {  	_ =	shalt  }
0x7d: {  	_ =	shalt  }
0x7e: {  	_ =	shalt  }
0x7f: {  	_ =	shalt  }
0x80: {  	_ =	shalt  }
0x81: {  	_ =	shalt  }
0x82: {  	_ =	shalt  }
0x83: {  	_ =	shalt  }
0x84: {  	_ =	shalt  }
0x85: {  	_ =	shalt  }
0x86: {  	_ =	shalt  }
0x87: {  	_ =	shalt  }
.Lfunc_end0:
.L_simem_size_0:
called_computation.1_lowered:
.L_overlay_start_0:
0x88: {  	s2 =	sld [smem:$0x3FD9]  }
0x89: {  	s3 =	sld [smem:$0x3FFE];
	_ =	sdelay $0x1  }
0x8a: {  	s1 =	srdreg.scid  }
0x8b: {  	s0 =	sand.u32 $0x1, s1  }
0x8c: {  	s14 =	sshll.u32 s0, $0xA;
	s2 =	sadd.s32 s3, s2  }
0x8d: {  	s2 =	sadd.s32 s2, s14  }
0x8e: {  	[smem:$0x3FBA] =	sst s2  }
0x8f: {  	_ = 	snop  }
0x90: {  	s2 =	sld [smem:$0x3FD0];
	_ =	sdelay $0x2  }
0x91: {  	s15 =	simm.s32 $0xA;
	s4 =	simm.s32 $0x10  }
0x92: {  	[smem:s4], [sflag:s15] =	dma.local [hbm:s2], $0x1  }
0x93: {  	_ =	swait.eq [sflag:s15], $0x1  }
0x94: {  	[sflag:s15] =	ssyncset.done $0x0  }
0x95: {  	[sflag:s15] =	ssyncadd.s32 $0xFFFFFFFF  }
0x96: {  	s16 =	sld [smem:$0x10];
	(tm) =	ssettm $0x1  }
0x97: {  	s17 =	sld [smem:$0x3FFB];
	_ =	sdelay $0x3  }
0x98: {  	_ =	strace s17  }
0x99: {  	s3 =	sld [smem:$0x3FFC];
	_ =	sdelay $0x3  }
0x9a: {  	_ =	strace s3  }
0x9b: {  	s3 =	sld [smem:$0x3FFD];
	_ =	sdelay $0x3  }
0x9c: {  	_ =	strace s3  }
0x9d: {  	_ =	strace $0x8FFFFFFF  }
0x9e: {  	s18 =	sld [smem:$0x3FDB];
	_ =	sdelay $0x1  }
0x9f: {  	s19 =	simm.s32 $_scs_section_size  }
0xa0: {  	s5 =	simm.s32 $_size__tile_overlayer_lowered;
	s6 =	simm.s32 $_tile_overlayer_lowered  }
0xa1: {  	s22 =	simm.s32 $0x1BFF;
	s21 =	sshll.u32 s6, $0x1;
	s3 =	sadd.s32 s19, s18  }
0xa2: {  	s7 =	simm.s32 $0x0;
	s20 =	sshll.u32 s5, $0x1;
	s5 =	sadd.s32 s21, s3  }
0xa3: {  	[timem:s7], [sflag:s22] =	dma.local [hbm:s5], s20  }
0xa4: {  	_ =	swait.ge [sflag:s22], s20  }
0xa5: {  	s4 =	ssub.s32 $0x0, s20;
	[sflag:s22] =	ssyncset.done $0x0  }
0xa6: {  	[sflag:s22] =	ssyncadd.s32 s4;
	_ =	sdelay $0x1  }
0xa7: {  	s23 =	simm.s32 $0x1B8B  }
0xa8: {  	_ =	swait.ge [sflag:s23], $0x1  }
0xa9: {  	[sflag:s23] =	ssyncset.done $0x0  }
0xaa: {  	s25 =	simm.s32 $0x1B8E;
	s24 =	sld [smem:$0x3FFE];
	[sflag:s23] =	ssyncadd.s32 $0xFFFFFFFF  }
0xab: {  	s26 =	simm.s32 $execute0_lowered;
	[smem:$0x3FD2] =	sst s25  }
0xac: {  	s5 =	sshll.u32 s26, $0x1;
	_ =	strace $0x80000049;
	[dreg:$0x1] =	wrdreg $0xFFFFFFFF  }
0xad: {  	s28 =	simm.s32 $_size_execute0_lowered;
	s3 =	sadd.s32 s3, s5;
	[dreg:$0x0] =	wrdreg $0x0  }
0xae: {  	s5 =	sshll.u32 s28, $0x1;
	[dreg:$0x2] =	wrdreg s3  }
0xaf: {  	[dreg:$0x3] =	wrdreg s5  }
0xb0: {  	[dreg:$0x4] =	wrdreg $0xC0  }
0xb1: {  	_ =	task [dreg:s7], $0x5FFFF  }
0xb2: {  	[dreg:$0x1] =	wrdreg $0xFFFFFFFF  }
0xb3: {  	[dreg:$0x0] =	wrdreg $0x60  }
0xb4: {  	[dreg:$0x2] =	wrdreg s24  }
0xb5: {  	[dreg:$0x3] =	wrdreg s16  }
0xb6: {  	[dreg:$0x4] =	wrdreg $0xA8000  }
0xb7: {  	[dreg:$0x5] =	wrdreg $0x9  }
0xb8: {  	_ =	task.clear_ibuf [dreg:s7], $0x6FFFF;
	_ =	strace $0x90000049  }
0xb9: {  	s29 =	simm.s32 $0x9;
	_ =	strace $0x8000004B  }
0xba: {  	_ =	swait.ge [sflag:s29], $0x1  }
0xbb: {  	[sflag:s29] =	ssyncadd.s32 $0xFFFFFFFF  }
0xbc: {  	_ =	strace $0x9000004B  }
0xbd: {  	_ =	sfence  }
0xbe: {  	s30 =	sld [smem:$0x0];
	_ =	sdelay $0x2  }
0xbf: {  	s31 =	sshll.u32 s1, $0xD;
	s1 =	sshrl.u32 s1, $0x2  }
0xc0: {  	s3 =	sand.u32 $0x4000, s31;
	s1 =	sadd.s32 s1, s30  }
0xc1: {  	s0 =	sor.u32 s3, s0;
	s1 =	sshll.u32 s1, $0x11  }
0xc2: {  	s0 =	sor.u32 s1, s0  }
0xc3: {  	s0 =	sadd.s32 $0x8F2B, s0  }
0xc4: {  	[sflag:s0] =	ssyncadd.remote.s32 $0x1  }
0xc5: {  	_ =	sfence.sel $0xFFFF  }
0xc6: {  	[dreg:$0x0] =	wrdreg $0xFFFFFFFF;
	(pc) =	sbr.abs _section_cstart, $3  }
0xc7: {  	[dreg:$0x1] =	wrdreg $0xFFFFFFFF  }
0xc8: {  	_ =	task.clear_ibuf [dreg:s7], $0x2FFFF;
	_ =	strace $0x9FFFFFFF  }
0xc9: {  	(tm) =	ssettm $0x7FFFFFFF  }
tec
execute0_lowered:
.L_overlay_start_1:
0x0: {  	(tag) =	ssettag $0x1  }
0x1: {  	s6 =	rddreg [dreg:$0x0]  }
0x2: {  	s10 =	rddreg [dreg:$0x1]  }
0x3: {  	s1 =	rddreg [dreg:$0x2];
	s2 =	srdreg.scid  }
0x4: {  	s0 =	rddreg [dreg:$0x3];
	s3 =	simm.s32 $0x0;
	s16 =	simm.s32 $0x80  }
0x5: {  	s17 =	simm.s32 $0x2800;
	s18 =	simm.s32 $0x6800;
	s19 =	simm.s32 $0x1  }
0x6: {  	s20 =	simm.s32 $0x2;
	s21 =	simm.s32 $0x2700;
	s22 =	simm.s32 $0x2780  }
0x7: {  	s23 =	simm.s32 $0x0;
	s7 =	sand.u32 $0x1, s2;
	s2 =	stileid.u32  }
0x8: {  	[smem:$0x7FF] =	sst s3;
	s4 =	sadd.s32 $0x5CE00, s6;
	s8 =	smul.u32 $0x140000, s7  }
0x9: {  	s11 =	sadd.s32 $0xE00, s6;
	s5 =	sadd.s32 $0x84E00, s6;
	s9 =	smul.u32 $0x14000, s2  }
0xa: {  	_ =	strace $0x8000004A;
	s24 =	ssub.s32 $0x2, s7;
	s7 =	sshll.u32 s7, $0x4  }
0xb: {  	s13 =	smul.u32 $0x50000, s2;
	s28 =	sshll.u32 s2, $0x6;
	s7 =	sor.u32 s2, s7  }
0xc: {  	s12 =	sshrl.u32 s24, $0x1;
	s8 =	sadd.s32 s9, s8;
	s25 =	smul.u32 $0x2800, s7  }
0xd: {  	s12 =	ssub.s32 s24, s12;
	s26 =	sshrl.u32 s13, $0x2;
	s29 =	smul.u32 $0x500, s7  }
0xe: {  	s8 =	sshrl.u32 s8, $0x3;
	s15 =	sadd.s32 s26, s1;
	s12 =	smax.u32 s12, $0x1  }
0xf: {  	s14 =	sadd.s32 s8, s6;
	s6 =	sor.u32 $0x1C03, s28;
	s30 =	sshrl.u32 s25, $0x3  }
0x10: {  	s7 =	sadd.s32 s11, s29;
	s8 =	sadd.s32 s10, s29;
	s31 =	sadd.s32 $0x280, s30  }
0x11: {  	s13 =	sshrl.u32 s15, $0x3;
	s15 =	simm.s32 $0x1400;
	s9 =	sadd.s32 s11, s31  }
0x12: {  	s10 =	sadd.s32 s10, s31;
	s11 =	sadd.s32 $0x87600, s14;
	s14 =	simm.s32 $0x3  }
.LBB2_1:
0x13: {  	[spmem:s13], [sflag:s6] =	dma.local [hbm:s5], $0x2800  }
0x14: {  	_ =	swait.ge [sflag:s14], $0x2800  }
0x15: {  	[sflag:s14] =	ssyncset.done $0x0  }
0x16: {  	[sflag:s14] =	ssyncadd.s32 $0xFFFFD800  }
0x17: {  	[bflag:$0x0] =	sbarrier.arrive $0xFFFF  }
0x18: {  	[tilespmem:s3], [sflag:$0x3] =	stream.linear.gather [hbm4b:s7+s3], $0x1400, $0x38;
	[tilespmem:$0x1E800] =	vst v63  }
0x19: {  	_ =	swait.ge [sflag:s14], $0x1400  }
0x1a: {  	[sflag:s14] =	ssyncset.done $0x0  }
0x1b: {  	[sflag:s14] =	ssyncadd.s32 $0xFFFFEC00  }
0x1c: {  	[tilespmem:s15], [sflag:$0x3] =	stream.linear.gather [hbm4b:s8+s3], $0x1400, $0x38;
	[tilespmem:$0x1E800] =	vst v63  }
0x1d: {  	_ =	swait.ge [sflag:s14], $0x1400  }
0x1e: {  	[sflag:s14] =	ssyncset.done $0x0  }
0x1f: {  	[sflag:s14] =	ssyncadd.s32 $0xFFFFEC00  }
0x20: {  	[tilespmem:s17], [sflag:$0x1] =	stream.indirect.gather [hbm4b:s4+s16], $0x80, s3, s16, $0xb8;
	[tilespmem:$0x1E800] =	vst v63  }
0x21: {  	_ = 	snop  }
0x22: {  	[tilespmem:s18], [sflag:$0x2] =	stream.indirect.gather [hbm4b:s4+s16], $0x80, s16, s16, $0xb8;
	[tilespmem:$0x1E800] =	vst v63  }
0x23: {  	_ =	swait.ge [sflag:s19], $0x4000  }
0x24: {  	[sflag:s19] =	ssyncset.done $0x0  }
0x25: {  	s24 =	simm.s32 $0x1400;
	[sflag:s19] =	ssyncadd.s32 $0xFFFFC000  }
0x26: {  	[spmem:s1] =	stream.indirect.scatter.add.f32 [tilespmem:s17], [sflag:$0x3], $0x80, s24, s16, $0xb8;
	[tilespmem:$0x1E800] =	vst v63  }
0x27: {  	_ =	swait.ge [sflag:s14], $0x4000  }
0x28: {  	[sflag:s14] =	ssyncset.done $0x0  }
0x29: {  	s30 =	simm.s32 $0x100;
	[sflag:s14] =	ssyncadd.s32 $0xFFFFC000  }
0x2a: {  	[tilespmem:s17], [sflag:$0x1] =	stream.indirect.gather [hbm4b:s4+s16], $0x80, s30, s16, $0xb8;
	[tilespmem:$0x1E800] =	vst v63  }
0x2b: {  	_ =	swait.ge [sflag:s20], $0x4000  }
0x2c: {  	[sflag:s20] =	ssyncset.done $0x0  }
0x2d: {  	s31 =	simm.s32 $0x1480;
	[sflag:s20] =	ssyncadd.s32 $0xFFFFC000  }
0x2e: {  	[spmem:s1] =	stream.indirect.scatter.add.f32 [tilespmem:s18], [sflag:$0x3], $0x80, s31, s16, $0xb8;
	[tilespmem:$0x1E800] =	vst v63  }
0x2f: {  	_ =	swait.ge [sflag:s14], $0x4000  }
0x30: {  	[sflag:s14] =	ssyncset.done $0x0  }
0x31: {  	s25 =	simm.s32 $0x180;
	s24 =	simm.s32 $0x400;
	[sflag:s14] =	ssyncadd.s32 $0xFFFFC000  }
.LBB2_2:
0x32: {  	[tilespmem:s18], [sflag:$0x2] =	stream.indirect.gather [hbm4b:s4+s16], $0x80, s25, s16, $0xb8;
	[tilespmem:$0x1E800] =	vst v63  }
0x33: {  	s25 =	smov.u32 s24  }
0x34: {  	p0 =	sne.s32 s24, $0x4800;
	s24 =	sadd.s32 $0x400, s24;
	_ =	swait.ge [sflag:s19], $0x4000  }
0x35: {  	s25 =	sshra.s32 s25, $0x2;
	[sflag:s19] =	ssyncset.done $0x0  }
0x36: {  	s26 =	sadd.s32 $0x1400, s25;
	[sflag:s19] =	ssyncadd.s32 $0xFFFFC000  }
0x37: {  	[spmem:s1] =	stream.indirect.scatter.add.f32 [tilespmem:s17], [sflag:$0x3], $0x80, s26, s16, $0xb8;
	[tilespmem:$0x1E800] =	vst v63  }
0x38: {  	_ =	swait.ge [sflag:s14], $0x4000  }
0x39: {  	[sflag:s14] =	ssyncset.done $0x0  }
0x3a: {  	s26 =	sadd.s32 $0x100, s25;
	[sflag:s14] =	ssyncadd.s32 $0xFFFFC000  }
0x3b: {  	[tilespmem:s17], [sflag:$0x1] =	stream.indirect.gather [hbm4b:s4+s16], $0x80, s26, s16, $0xb8;
	[tilespmem:$0x1E800] =	vst v63  }
0x3c: {  	_ =	swait.ge [sflag:s20], $0x4000  }
0x3d: {  	[sflag:s20] =	ssyncset.done $0x0  }
.Ltmp0:
0x3e: {  	s26 =	sadd.s32 $0x1480, s25;
	[sflag:s20] =	ssyncadd.s32 $0xFFFFC000;
	(pc) =	sbr.rel @p0 .LBB2_2-.Ltmp0, $4  }
0x3f: {  	[spmem:s1] =	stream.indirect.scatter.add.f32 [tilespmem:s18], [sflag:$0x3], $0x80, s26, s16, $0xb8;
	[tilespmem:$0x1E800] =	vst v63  }
0x40: {  	_ =	swait.ge [sflag:s14], $0x4000  }
0x41: {  	[sflag:s14] =	ssyncset.done $0x0  }
0x42: {  	s25 =	sadd.s32 $0x180, s25;
	[sflag:s14] =	ssyncadd.s32 $0xFFFFC000  }
0x43: {  	[tilespmem:s18], [sflag:$0x2] =	stream.indirect.gather [hbm4b:s4+s16], $0x80, s25, s16, $0xb8;
	[tilespmem:$0x1E800] =	vst v63  }
0x44: {  	_ =	swait.ge [sflag:s19], $0x4000  }
0x45: {  	[sflag:s19] =	ssyncset.done $0x0  }
0x46: {  	[sflag:s19] =	ssyncadd.s32 $0xFFFFC000  }
0x47: {  	[spmem:s1] =	stream.indirect.scatter.add.f32 [tilespmem:s17], [sflag:$0x3], $0x80, s21, s16, $0xb8;
	[tilespmem:$0x1E800] =	vst v63  }
0x48: {  	_ =	swait.ge [sflag:s14], $0x4000  }
0x49: {  	[sflag:s14] =	ssyncset.done $0x0  }
0x4a: {  	[sflag:s14] =	ssyncadd.s32 $0xFFFFC000  }
0x4b: {  	_ =	swait.ge [sflag:s20], $0x4000  }
0x4c: {  	[sflag:s20] =	ssyncset.done $0x0  }
0x4d: {  	[sflag:s20] =	ssyncadd.s32 $0xFFFFC000  }
0x4e: {  	[spmem:s1] =	stream.indirect.scatter.add.f32 [tilespmem:s18], [sflag:$0x3], $0x80, s22, s16, $0xb8;
	[tilespmem:$0x1E800] =	vst v63  }
0x4f: {  	_ =	swait.ge [sflag:s14], $0x4000  }
0x50: {  	[sflag:s14] =	ssyncset.done $0x0  }
0x51: {  	s24 =	simm.s32 $0x0;
	[sflag:s14] =	ssyncadd.s32 $0xFFFFC000  }
0x52: {  	[tilespmem:s24], [sflag:$0x3] =	stream.linear.gather [hbm4b:s9+s24], $0x1400, $0x38;
	[tilespmem:$0x1E800] =	vst v63  }
0x53: {  	_ =	swait.ge [sflag:s14], $0x1400  }
0x54: {  	[sflag:s14] =	ssyncset.done $0x0  }
0x55: {  	[sflag:s14] =	ssyncadd.s32 $0xFFFFEC00  }
0x56: {  	[tilespmem:s15], [sflag:$0x3] =	stream.linear.gather [hbm4b:s10+s24], $0x1400, $0x38;
	[tilespmem:$0x1E800] =	vst v63  }
0x57: {  	_ =	swait.ge [sflag:s14], $0x1400  }
0x58: {  	[sflag:s14] =	ssyncset.done $0x0  }
0x59: {  	[sflag:s14] =	ssyncadd.s32 $0xFFFFEC00  }
0x5a: {  	[tilespmem:s17], [sflag:$0x1] =	stream.indirect.gather [hbm4b:s4+s16], $0x80, s24, s16, $0xb8;
	[tilespmem:$0x1E800] =	vst v63  }
0x5b: {  	_ = 	snop  }
0x5c: {  	[tilespmem:s18], [sflag:$0x2] =	stream.indirect.gather [hbm4b:s4+s16], $0x80, s16, s16, $0xb8;
	[tilespmem:$0x1E800] =	vst v63  }
0x5d: {  	_ =	swait.ge [sflag:s19], $0x4000  }
0x5e: {  	[sflag:s19] =	ssyncset.done $0x0  }
0x5f: {  	s29 =	simm.s32 $0x1400;
	[sflag:s19] =	ssyncadd.s32 $0xFFFFC000  }
0x60: {  	[spmem:s1] =	stream.indirect.scatter.add.f32 [tilespmem:s17], [sflag:$0x3], $0x80, s29, s16, $0xb8;
	[tilespmem:$0x1E800] =	vst v63  }
0x61: {  	_ =	swait.ge [sflag:s14], $0x4000  }
0x62: {  	[sflag:s14] =	ssyncset.done $0x0  }
0x63: {  	s30 =	simm.s32 $0x100;
	[sflag:s14] =	ssyncadd.s32 $0xFFFFC000  }
0x64: {  	[tilespmem:s17], [sflag:$0x1] =	stream.indirect.gather [hbm4b:s4+s16], $0x80, s30, s16, $0xb8;
	[tilespmem:$0x1E800] =	vst v63  }
0x65: {  	_ =	swait.ge [sflag:s20], $0x4000  }
0x66: {  	[sflag:s20] =	ssyncset.done $0x0  }
0x67: {  	s31 =	simm.s32 $0x1480;
	[sflag:s20] =	ssyncadd.s32 $0xFFFFC000  }
0x68: {  	[spmem:s1] =	stream.indirect.scatter.add.f32 [tilespmem:s18], [sflag:$0x3], $0x80, s31, s16, $0xb8;
	[tilespmem:$0x1E800] =	vst v63  }
0x69: {  	_ =	swait.ge [sflag:s14], $0x4000  }
0x6a: {  	[sflag:s14] =	ssyncset.done $0x0  }
0x6b: {  	s25 =	simm.s32 $0x180;
	s24 =	simm.s32 $0x400;
	[sflag:s14] =	ssyncadd.s32 $0xFFFFC000  }
.LBB2_4:
0x6c: {  	[tilespmem:s18], [sflag:$0x2] =	stream.indirect.gather [hbm4b:s4+s16], $0x80, s25, s16, $0xb8;
	[tilespmem:$0x1E800] =	vst v63  }
0x6d: {  	s25 =	smov.u32 s24  }
0x6e: {  	p0 =	sne.s32 s24, $0x4800;
	s24 =	sadd.s32 $0x400, s24;
	_ =	swait.ge [sflag:s19], $0x4000  }
0x6f: {  	s25 =	sshra.s32 s25, $0x2;
	[sflag:s19] =	ssyncset.done $0x0  }
0x70: {  	s26 =	sadd.s32 $0x1400, s25;
	[sflag:s19] =	ssyncadd.s32 $0xFFFFC000  }
0x71: {  	[spmem:s1] =	stream.indirect.scatter.add.f32 [tilespmem:s17], [sflag:$0x3], $0x80, s26, s16, $0xb8;
	[tilespmem:$0x1E800] =	vst v63  }
0x72: {  	_ =	swait.ge [sflag:s14], $0x4000  }
0x73: {  	[sflag:s14] =	ssyncset.done $0x0  }
0x74: {  	s26 =	sadd.s32 $0x100, s25;
	[sflag:s14] =	ssyncadd.s32 $0xFFFFC000  }
0x75: {  	[tilespmem:s17], [sflag:$0x1] =	stream.indirect.gather [hbm4b:s4+s16], $0x80, s26, s16, $0xb8;
	[tilespmem:$0x1E800] =	vst v63  }
0x76: {  	_ =	swait.ge [sflag:s20], $0x4000  }
0x77: {  	[sflag:s20] =	ssyncset.done $0x0  }
.Ltmp1:
0x78: {  	s26 =	sadd.s32 $0x1480, s25;
	[sflag:s20] =	ssyncadd.s32 $0xFFFFC000;
	(pc) =	sbr.rel @p0 .LBB2_4-.Ltmp1, $4  }
0x79: {  	[spmem:s1] =	stream.indirect.scatter.add.f32 [tilespmem:s18], [sflag:$0x3], $0x80, s26, s16, $0xb8;
	[tilespmem:$0x1E800] =	vst v63  }
0x7a: {  	_ =	swait.ge [sflag:s14], $0x4000  }
0x7b: {  	[sflag:s14] =	ssyncset.done $0x0  }
0x7c: {  	s25 =	sadd.s32 $0x180, s25;
	[sflag:s14] =	ssyncadd.s32 $0xFFFFC000  }
0x7d: {  	[tilespmem:s18], [sflag:$0x2] =	stream.indirect.gather [hbm4b:s4+s16], $0x80, s25, s16, $0xb8;
	[tilespmem:$0x1E800] =	vst v63  }
0x7e: {  	_ =	swait.ge [sflag:s19], $0x4000  }
0x7f: {  	[sflag:s19] =	ssyncset.done $0x0  }
0x80: {  	[sflag:s19] =	ssyncadd.s32 $0xFFFFC000  }
0x81: {  	[spmem:s1] =	stream.indirect.scatter.add.f32 [tilespmem:s17], [sflag:$0x3], $0x80, s21, s16, $0xb8;
	[tilespmem:$0x1E800] =	vst v63  }
0x82: {  	_ =	swait.ge [sflag:s14], $0x4000  }
0x83: {  	[sflag:s14] =	ssyncset.done $0x0  }
0x84: {  	[sflag:s14] =	ssyncadd.s32 $0xFFFFC000  }
0x85: {  	_ =	swait.ge [sflag:s20], $0x4000  }
0x86: {  	[sflag:s20] =	ssyncset.done $0x0  }
0x87: {  	[sflag:s20] =	ssyncadd.s32 $0xFFFFC000  }
0x88: {  	[spmem:s1] =	stream.indirect.scatter.add.f32 [tilespmem:s18], [sflag:$0x3], $0x80, s22, s16, $0xb8;
	[tilespmem:$0x1E800] =	vst v63  }
0x89: {  	_ =	swait.ge [sflag:s14], $0x4000  }
0x8a: {  	s23 =	sadd.s32 $0x1, s23;
	[sflag:s14] =	ssyncset.done $0x0  }
0x8b: {  	p0 =	sne.s32 s23, s12;
	[sflag:s14] =	ssyncadd.s32 $0xFFFFC000  }
.Ltmp2:
0x8c: {  	[bflag:$0x0] =	sbarrier.arrive $0xFFFF;
	(pc) =	sbr.rel @p0 .LBB2_1-.Ltmp2, $4  }
0x8d: {  	[hbm:s11], [sflag:s6] =	dma.local [spmem:s13], $0x2800  }
0x8e: {  	_ =	swait.ge [sflag:s14], $0x2800  }
0x8f: {  	[sflag:s14] =	ssyncset.done $0x0  }
0x90: {  	[sflag:s14] =	ssyncadd.s32 $0xFFFFD800  }
0x91: {  	_ =	sfence.sel $0x180000  }
0x92: {  	[bflag:$0x0] =	sbarrier.arrive $0xFFFF  }
0x93: {  	p0 =	sne.s32 s2, $0x0;
	_ =	strace $0x9000004A  }
0x94: {  	s0 =	sadd.s32 @!p0 $0x100000, s0;
	[bflag:$0x2] =	sbarrier.arrive $0xFFFF  }
0x95: {  	[sflag:s0] =	ssyncadd.tile.s32 @!p0 $0x1;
	_ =	shalt  }
.Lfunc_end2:
_tile_overlayer_lowered:
.L_overlay_start_2:
0x96: {  	(tag) =	ssettag $0x2  }
0x97: {  	s0 =	rddreg [dreg:$0x0];
	s2 =	stileid.u32  }
0x98: {  	s1 =	rddreg [dreg:$0x1];
	p0 =	sne.s32 s2, $0x0  }
0x99: {  	s3 =	rddreg [dreg:$0x2];
	[bflag:$0x3] =	sbarrier.arrive $0xFFFF;
	s2 =	simm.s32 @!p0 $0x1C03  }
0x9a: {  	[timem:s3], [sflag:s2] =	dma.local @!p0 [hbm:s0], s1  }
0x9b: {  	s0 =	simm.s32 @!p0 $0x3  }
0x9c: {  	_ =	swait.ge @!p0 [sflag:s0], s1  }
0x9d: {  	s1 =	ssub.s32 @!p0 $0x0, s1;
	[sflag:s0] =	ssyncset.done @!p0 $0x0  }
0x9e: {  	[sflag:s0] =	ssyncadd.s32 @!p0 s1  }
0x9f: {  	[bflag:$0x3] =	sbarrier.arrive $0xFFFF  }
0xa0: {  	_ =	shalt  }

// kernel: kernel.14.cloned.1.call-start
scs
__scs_entry_jumppad:
0x0: {  	(pc) =	sbr.rel $0x88, $3  }
0x1: {  	(tag) =	ssettag $0x0;
	lr =	simm.s32 $0x1  }
0x2: {  	[smem:$0x3F93] =	sst lr;
	_ =	strace $0xD0000000  }
0x3: {  	_ = 	snop  }
0x4: {  	_ = 	snop  }
0x5: {  	_ = 	snop  }
0x6: {  	_ = 	snop  }
0x7: {  	_ = 	snop  }
__scs_overlays_trampoline_lowered:
0x8: {  	[smem:$0x3FA2] =	sst s0  }
0x9: {  	[smem:$0x3FA3] =	sst s1  }
0xa: {  	[smem:$0x3FA4] =	sst s2  }
0xb: {  	[smem:$0x3FA5] =	sst s3  }
0xc: {  	[smem:$0x3FA6] =	sst s4  }
0xd: {  	[smem:$0x3FA7] =	sst s5  }
0xe: {  	[smem:$0x3FA8] =	sst s6  }
0xf: {  	[smem:$0x3FA9] =	sst s7  }
0x10: {  	[smem:$0x3FAA] =	sst s8  }
0x11: {  	[smem:$0x3FAB] =	sst s9;
	s0 =	simm.s32 @!p0 $0x0  }
0x12: {  	s1 =	sld [smem:$0x3F91];
	s0 =	simm.s32 @p0 $0x1  }
0x13: {  	[smem:$0x3FAC] =	sst s0;
	s0 =	simm.s32 @!p1 $0x0  }
0x14: {  	s2 =	sld [smem:$0x3F90];
	s0 =	simm.s32 @p1 $0x1  }
0x15: {  	[smem:$0x3FAD] =	sst s0;
	s0 =	simm.s32 @!p2 $0x0  }
0x16: {  	s3 =	sld [smem:$0x3FDB];
	s0 =	simm.s32 @p2 $0x1  }
0x17: {  	s4 =	simm.s32 $0x1BF5;
	[smem:$0x3FAF] =	sst s0  }
0x18: {  	s0 =	sld [smem:$0x3F92];
	_ =	swait.ge [sflag:s4], $0x0  }
0x19: {  	s7 =	sld [smem:$0x3F93]  }
0x1a: {  	s8 =	sadd.s32 $0xFFFFE003, lr  }
0x1b: {  	s9 =	sadd.s32 $0xFFFFFEF7, lr;
	s5 =	simm.s32 $0xFFFFFFFF;
	p2 =	slt.u32 s8, $0xFFFFF086  }
0x1c: {  	p1 =	slt.u32 s9, $0xF7A;
	s5 =	simm.s32 @!p2 $0x0  }
0x1d: {  	s5 =	simm.s32 @p1 $0x1;
	p0 =	seq.s32 s7, s2  }
0x1e: {  	s7 =	smul.u32 @!p0 $0xF7A, s2;
	p2 =	seq.s32 @!p0 s5, $0x0  }
0x1f: {  	s9 =	smul.u32 $0xF7A, s1;
	s8 =	simm.s32 @!p0 $0x1BF5;
	p2 =	por !p2, p0  }
0x20: {  	[sflag:s8] =	ssyncset.s32 @!p0 $0xFFFFF086;
	s6 =	sadd.s32 @!p0 s3, s7;
	s7 =	simm.s32 @!p0 $0x108  }
0x21: {  	s3 =	sadd.s32 s3, s9;
	s6 =	sadd.s32 @!p0 $0x88, s6;
	s7 =	simm.s32 @p2 $0x1082  }
0x22: {  	[simem:s7], [sflag:s8] =	dma.local @!p0 [hbm:s6], $0xF7A  }
0x23: {  	s9 =	sor.u32 $0xD0000000, s2;
	s6 =	simm.s32 $0x108;
	_ =	swait.ge @!p0 [sflag:s8], $0x0  }
0x24: {  	s3 =	sadd.s32 $0x88, s3;
	s6 =	simm.s32 @!p1 $0x1082;
	[sflag:s4] =	ssyncset.s32 $0xFFFFF086  }
0x25: {  	[simem:s6], [sflag:s4] =	dma.local [hbm:s3], $0xF7A  }
0x26: {  	[smem:$0x3F93] =	sst s1;
	(tag) =	ssettag s2;
	_ =	strace s9  }
0x27: {  	s1 =	sld [smem:$0x3FA3]  }
0x28: {  	s2 =	sld [smem:$0x3FA4]  }
0x29: {  	s4 =	sld [smem:$0x3FA6]  }
0x2a: {  	p0 =	seq.s32 s5, $0x0;
	s5 =	sld [smem:$0x3FA7]  }
0x2b: {  	s6 =	sld [smem:$0x3FA8]  }
0x2c: {  	s7 =	sld [smem:$0x3FA9]  }
0x2d: {  	s3 =	simm.s32 $0x108;
	s8 =	sld [smem:$0x3FAA]  }
0x2e: {  	s3 =	simm.s32 @!p0 $0x1082;
	s9 =	sld [smem:$0x3FAB]  }
0x2f: {  	lr =	sadd.s32 s0, s3;
	s0 =	sld [smem:$0x3FA2]  }
0x30: {  	s3 =	sld [smem:$0x3FA5]  }
0x31: {  	[smem:$0x3FAE] =	sst s10  }
0x32: {  	s10 =	sld [smem:$0x3FAC];
	_ =	sdelay $0x3  }
0x33: {  	p0 =	seq.s32 s10, $0x1;
	s10 =	sld [smem:$0x3FAE];
	_ =	sdelay $0x3  }
0x34: {  	[smem:$0x3FAE] =	sst s10  }
0x35: {  	s10 =	sld [smem:$0x3FAD];
	_ =	sdelay $0x3  }
0x36: {  	p1 =	seq.s32 s10, $0x1;
	s10 =	sld [smem:$0x3FAE];
	_ =	sdelay $0x3  }
0x37: {  	[smem:$0x3FAE] =	sst s10  }
0x38: {  	s10 =	sld [smem:$0x3FAF]  }
0x39: {  	_ = 	snop;
	(pc) =	sbr.ind lr, $3  }
0x3a: {  	_ = 	snop  }
0x3b: {  	_ = 	snop  }
0x3c: {  	p2 =	seq.s32 s10, $0x1;
	s10 =	sld [smem:$0x3FAE]  }
0x3d: {  	_ =	shalt  }
0x3e: {  	_ =	shalt  }
0x3f: {  	_ =	shalt  }
0x40: {  	_ =	shalt  }
0x41: {  	_ =	shalt  }
0x42: {  	_ =	shalt  }
0x43: {  	_ =	shalt  }
0x44: {  	_ =	shalt  }
0x45: {  	_ =	shalt  }
0x46: {  	_ =	shalt  }
0x47: {  	_ =	shalt  }
0x48: {  	_ =	shalt  }
0x49: {  	_ =	shalt  }
0x4a: {  	_ =	shalt  }
0x4b: {  	_ =	shalt  }
0x4c: {  	_ =	shalt  }
0x4d: {  	_ =	shalt  }
0x4e: {  	_ =	shalt  }
0x4f: {  	_ =	shalt  }
0x50: {  	_ =	shalt  }
0x51: {  	_ =	shalt  }
0x52: {  	_ =	shalt  }
0x53: {  	_ =	shalt  }
0x54: {  	_ =	shalt  }
0x55: {  	_ =	shalt  }
0x56: {  	_ =	shalt  }
0x57: {  	_ =	shalt  }
0x58: {  	_ =	shalt  }
0x59: {  	_ =	shalt  }
0x5a: {  	_ =	shalt  }
0x5b: {  	_ =	shalt  }
0x5c: {  	_ =	shalt  }
0x5d: {  	_ =	shalt  }
0x5e: {  	_ =	shalt  }
0x5f: {  	_ =	shalt  }
0x60: {  	_ =	shalt  }
0x61: {  	_ =	shalt  }
0x62: {  	_ =	shalt  }
0x63: {  	_ =	shalt  }
0x64: {  	_ =	shalt  }
0x65: {  	_ =	shalt  }
0x66: {  	_ =	shalt  }
0x67: {  	_ =	shalt  }
0x68: {  	_ =	shalt  }
0x69: {  	_ =	shalt  }
0x6a: {  	_ =	shalt  }
0x6b: {  	_ =	shalt  }
0x6c: {  	_ =	shalt  }
0x6d: {  	_ =	shalt  }
0x6e: {  	_ =	shalt  }
0x6f: {  	_ =	shalt  }
0x70: {  	_ =	shalt  }
0x71: {  	_ =	shalt  }
0x72: {  	_ =	shalt  }
0x73: {  	_ =	shalt  }
0x74: {  	_ =	shalt  }
0x75: {  	_ =	shalt  }
0x76: {  	_ =	shalt  }
0x77: {  	_ =	shalt  }
0x78: {  	_ =	shalt  }
0x79: {  	_ =	shalt  }
0x7a: {  	_ =	shalt  }
0x7b: {  	_ =	shalt  }
0x7c: {  	_ =	shalt  }
0x7d: {  	_ =	shalt  }
0x7e: {  	_ =	shalt  }
0x7f: {  	_ =	shalt  }
0x80: {  	_ =	shalt  }
0x81: {  	_ =	shalt  }
0x82: {  	_ =	shalt  }
0x83: {  	_ =	shalt  }
0x84: {  	_ =	shalt  }
0x85: {  	_ =	shalt  }
0x86: {  	_ =	shalt  }
0x87: {  	_ =	shalt  }
.Lfunc_end0:
.L_simem_size_0:
called_computation.2_lowered:
.L_overlay_start_0:
0x88: {  	s2 =	sld [smem:$0x3FD9]  }
0x89: {  	s3 =	sld [smem:$0x3FFE];
	_ =	sdelay $0x1  }
0x8a: {  	s1 =	srdreg.scid  }
0x8b: {  	s0 =	sand.u32 $0x1, s1  }
0x8c: {  	s14 =	sshll.u32 s0, $0xA;
	s2 =	sadd.s32 s3, s2  }
0x8d: {  	s2 =	sadd.s32 s2, s14  }
0x8e: {  	[smem:$0x3FBA] =	sst s2  }
0x8f: {  	_ = 	snop  }
0x90: {  	s2 =	sld [smem:$0x3FD0];
	_ =	sdelay $0x2  }
0x91: {  	s15 =	simm.s32 $0xA;
	s4 =	simm.s32 $0x10  }
0x92: {  	[smem:s4], [sflag:s15] =	dma.local [hbm:s2], $0x1  }
0x93: {  	_ =	swait.eq [sflag:s15], $0x1  }
0x94: {  	[sflag:s15] =	ssyncset.done $0x0  }
0x95: {  	[sflag:s15] =	ssyncadd.s32 $0xFFFFFFFF  }
0x96: {  	s16 =	sld [smem:$0x10];
	(tm) =	ssettm $0x1  }
0x97: {  	s17 =	sld [smem:$0x3FFB];
	_ =	sdelay $0x3  }
0x98: {  	_ =	strace s17  }
0x99: {  	s3 =	sld [smem:$0x3FFC];
	_ =	sdelay $0x3  }
0x9a: {  	_ =	strace s3  }
0x9b: {  	s3 =	sld [smem:$0x3FFD];
	_ =	sdelay $0x3  }
0x9c: {  	_ =	strace s3  }
0x9d: {  	_ =	strace $0x8FFFFFFF  }
0x9e: {  	s18 =	sld [smem:$0x3FDB];
	_ =	sdelay $0x1  }
0x9f: {  	s19 =	simm.s32 $_scs_section_size  }
0xa0: {  	s5 =	simm.s32 $_size__tile_overlayer_lowered;
	s6 =	simm.s32 $_tile_overlayer_lowered  }
0xa1: {  	s22 =	simm.s32 $0x1BFF;
	s21 =	sshll.u32 s6, $0x1;
	s3 =	sadd.s32 s19, s18  }
0xa2: {  	s7 =	simm.s32 $0x0;
	s20 =	sshll.u32 s5, $0x1;
	s5 =	sadd.s32 s21, s3  }
0xa3: {  	[timem:s7], [sflag:s22] =	dma.local [hbm:s5], s20  }
0xa4: {  	_ =	swait.ge [sflag:s22], s20  }
0xa5: {  	s4 =	ssub.s32 $0x0, s20;
	[sflag:s22] =	ssyncset.done $0x0  }
0xa6: {  	[sflag:s22] =	ssyncadd.s32 s4;
	_ =	sdelay $0x1  }
0xa7: {  	s23 =	simm.s32 $0x1B8B  }
0xa8: {  	_ =	swait.ge [sflag:s23], $0x1  }
0xa9: {  	[sflag:s23] =	ssyncset.done $0x0  }
0xaa: {  	s25 =	simm.s32 $0x1B8E;
	s24 =	sld [smem:$0x3FFE];
	[sflag:s23] =	ssyncadd.s32 $0xFFFFFFFF  }
0xab: {  	s26 =	simm.s32 $execute0_lowered;
	[smem:$0x3FD2] =	sst s25  }
0xac: {  	s5 =	sshll.u32 s26, $0x1;
	_ =	strace $0x8000004C;
	[dreg:$0x1] =	wrdreg $0xFFFFFFFF  }
0xad: {  	s28 =	simm.s32 $_size_execute0_lowered;
	s3 =	sadd.s32 s3, s5;
	[dreg:$0x0] =	wrdreg $0x0  }
0xae: {  	s5 =	sshll.u32 s28, $0x1;
	[dreg:$0x2] =	wrdreg s3  }
0xaf: {  	[dreg:$0x3] =	wrdreg s5  }
0xb0: {  	[dreg:$0x4] =	wrdreg $0xC0  }
0xb1: {  	_ =	task [dreg:s7], $0x5FFFF  }
0xb2: {  	[dreg:$0x1] =	wrdreg $0xFFFFFFFF  }
0xb3: {  	[dreg:$0x0] =	wrdreg $0x60  }
0xb4: {  	[dreg:$0x2] =	wrdreg s24  }
0xb5: {  	[dreg:$0x3] =	wrdreg s16  }
0xb6: {  	[dreg:$0x4] =	wrdreg $0xA8000  }
0xb7: {  	[dreg:$0x5] =	wrdreg $0x9  }
0xb8: {  	_ =	task.clear_ibuf [dreg:s7], $0x6FFFF;
	_ =	strace $0x9000004C  }
0xb9: {  	s29 =	simm.s32 $0x9;
	_ =	strace $0x8000004E  }
0xba: {  	_ =	swait.ge [sflag:s29], $0x1  }
0xbb: {  	[sflag:s29] =	ssyncadd.s32 $0xFFFFFFFF  }
0xbc: {  	_ =	strace $0x9000004E  }
0xbd: {  	_ =	sfence  }
0xbe: {  	s30 =	sld [smem:$0x0];
	_ =	sdelay $0x2  }
0xbf: {  	s31 =	sshll.u32 s1, $0xD;
	s1 =	sshrl.u32 s1, $0x2  }
0xc0: {  	s3 =	sand.u32 $0x4000, s31;
	s1 =	sadd.s32 s1, s30  }
0xc1: {  	s0 =	sor.u32 s3, s0;
	s1 =	sshll.u32 s1, $0x11  }
0xc2: {  	s0 =	sor.u32 s1, s0  }
0xc3: {  	s0 =	sadd.s32 $0x8F2B, s0  }
0xc4: {  	[sflag:s0] =	ssyncadd.remote.s32 $0x1  }
0xc5: {  	_ =	sfence.sel $0xFFFF  }
0xc6: {  	[dreg:$0x0] =	wrdreg $0xFFFFFFFF;
	(pc) =	sbr.abs _section_cstart, $3  }
0xc7: {  	[dreg:$0x1] =	wrdreg $0xFFFFFFFF  }
0xc8: {  	_ =	task.clear_ibuf [dreg:s7], $0x2FFFF;
	_ =	strace $0x9FFFFFFF  }
0xc9: {  	(tm) =	ssettm $0x7FFFFFFF  }
tec
execute0_lowered:
.L_overlay_start_1:
0x0: {  	(tag) =	ssettag $0x1  }
0x1: {  	s6 =	rddreg [dreg:$0x0]  }
0x2: {  	s10 =	rddreg [dreg:$0x1]  }
0x3: {  	s1 =	rddreg [dreg:$0x2];
	s2 =	srdreg.scid  }
0x4: {  	s0 =	rddreg [dreg:$0x3];
	s3 =	simm.s32 $0x0;
	s16 =	simm.s32 $0x80  }
0x5: {  	s17 =	simm.s32 $0x2800;
	s18 =	simm.s32 $0x6800;
	s19 =	simm.s32 $0x1  }
0x6: {  	s20 =	simm.s32 $0x2;
	s21 =	simm.s32 $0x2700;
	s22 =	simm.s32 $0x2780  }
0x7: {  	s23 =	simm.s32 $0x0;
	s7 =	sand.u32 $0x1, s2;
	s2 =	stileid.u32  }
0x8: {  	[smem:$0x7FF] =	sst s3;
	s4 =	sadd.s32 $0x5CE00, s6;
	s8 =	smul.u32 $0x140000, s7  }
0x9: {  	s11 =	sadd.s32 $0xE00, s6;
	s5 =	sadd.s32 $0x84E00, s6;
	s9 =	smul.u32 $0x14000, s2  }
0xa: {  	_ =	strace $0x8000004D;
	s24 =	ssub.s32 $0x2, s7;
	s7 =	sshll.u32 s7, $0x4  }
0xb: {  	s13 =	smul.u32 $0x50000, s2;
	s28 =	sshll.u32 s2, $0x6;
	s7 =	sor.u32 s2, s7  }
0xc: {  	s12 =	sshrl.u32 s24, $0x1;
	s8 =	sadd.s32 s9, s8;
	s25 =	smul.u32 $0x2800, s7  }
0xd: {  	s12 =	ssub.s32 s24, s12;
	s26 =	sshrl.u32 s13, $0x2;
	s29 =	smul.u32 $0x500, s7  }
0xe: {  	s8 =	sshrl.u32 s8, $0x3;
	s15 =	sadd.s32 s26, s1;
	s12 =	smax.u32 s12, $0x1  }
0xf: {  	s14 =	sadd.s32 s8, s6;
	s6 =	sor.u32 $0x1C03, s28;
	s30 =	sshrl.u32 s25, $0x3  }
0x10: {  	s7 =	sadd.s32 s11, s29;
	s8 =	sadd.s32 s10, s29;
	s31 =	sadd.s32 $0x280, s30  }
0x11: {  	s13 =	sshrl.u32 s15, $0x3;
	s15 =	simm.s32 $0x1400;
	s9 =	sadd.s32 s11, s31  }
0x12: {  	s10 =	sadd.s32 s10, s31;
	s11 =	sadd.s32 $0x87600, s14;
	s14 =	simm.s32 $0x3  }
.LBB2_1:
0x13: {  	[spmem:s13], [sflag:s6] =	dma.local [hbm:s5], $0x2800  }
0x14: {  	_ =	swait.ge [sflag:s14], $0x2800  }
0x15: {  	[sflag:s14] =	ssyncset.done $0x0  }
0x16: {  	[sflag:s14] =	ssyncadd.s32 $0xFFFFD800  }
0x17: {  	[bflag:$0x0] =	sbarrier.arrive $0xFFFF  }
0x18: {  	[tilespmem:s3], [sflag:$0x3] =	stream.linear.gather [hbm4b:s7+s3], $0x1400, $0x38;
	[tilespmem:$0x1E800] =	vst v63  }
0x19: {  	_ =	swait.ge [sflag:s14], $0x1400  }
0x1a: {  	[sflag:s14] =	ssyncset.done $0x0  }
0x1b: {  	[sflag:s14] =	ssyncadd.s32 $0xFFFFEC00  }
0x1c: {  	[tilespmem:s15], [sflag:$0x3] =	stream.linear.gather [hbm4b:s8+s3], $0x1400, $0x38;
	[tilespmem:$0x1E800] =	vst v63  }
0x1d: {  	_ =	swait.ge [sflag:s14], $0x1400  }
0x1e: {  	[sflag:s14] =	ssyncset.done $0x0  }
0x1f: {  	[sflag:s14] =	ssyncadd.s32 $0xFFFFEC00  }
0x20: {  	[tilespmem:s17], [sflag:$0x1] =	stream.indirect.gather [hbm4b:s4+s16], $0x80, s3, s16, $0xb8;
	[tilespmem:$0x1E800] =	vst v63  }
0x21: {  	_ = 	snop  }
0x22: {  	[tilespmem:s18], [sflag:$0x2] =	stream.indirect.gather [hbm4b:s4+s16], $0x80, s16, s16, $0xb8;
	[tilespmem:$0x1E800] =	vst v63  }
0x23: {  	_ =	swait.ge [sflag:s19], $0x4000  }
0x24: {  	[sflag:s19] =	ssyncset.done $0x0  }
0x25: {  	s24 =	simm.s32 $0x1400;
	[sflag:s19] =	ssyncadd.s32 $0xFFFFC000  }
0x26: {  	[spmem:s1] =	stream.indirect.scatter.add.f32 [tilespmem:s17], [sflag:$0x3], $0x80, s24, s16, $0xb8;
	[tilespmem:$0x1E800] =	vst v63  }
0x27: {  	_ =	swait.ge [sflag:s14], $0x4000  }
0x28: {  	[sflag:s14] =	ssyncset.done $0x0  }
0x29: {  	s30 =	simm.s32 $0x100;
	[sflag:s14] =	ssyncadd.s32 $0xFFFFC000  }
0x2a: {  	[tilespmem:s17], [sflag:$0x1] =	stream.indirect.gather [hbm4b:s4+s16], $0x80, s30, s16, $0xb8;
	[tilespmem:$0x1E800] =	vst v63  }
0x2b: {  	_ =	swait.ge [sflag:s20], $0x4000  }
0x2c: {  	[sflag:s20] =	ssyncset.done $0x0  }
0x2d: {  	s31 =	simm.s32 $0x1480;
	[sflag:s20] =	ssyncadd.s32 $0xFFFFC000  }
0x2e: {  	[spmem:s1] =	stream.indirect.scatter.add.f32 [tilespmem:s18], [sflag:$0x3], $0x80, s31, s16, $0xb8;
	[tilespmem:$0x1E800] =	vst v63  }
0x2f: {  	_ =	swait.ge [sflag:s14], $0x4000  }
0x30: {  	[sflag:s14] =	ssyncset.done $0x0  }
0x31: {  	s25 =	simm.s32 $0x180;
	s24 =	simm.s32 $0x400;
	[sflag:s14] =	ssyncadd.s32 $0xFFFFC000  }
.LBB2_2:
0x32: {  	[tilespmem:s18], [sflag:$0x2] =	stream.indirect.gather [hbm4b:s4+s16], $0x80, s25, s16, $0xb8;
	[tilespmem:$0x1E800] =	vst v63  }
0x33: {  	s25 =	smov.u32 s24  }
0x34: {  	p0 =	sne.s32 s24, $0x4800;
	s24 =	sadd.s32 $0x400, s24;
	_ =	swait.ge [sflag:s19], $0x4000  }
0x35: {  	s25 =	sshra.s32 s25, $0x2;
	[sflag:s19] =	ssyncset.done $0x0  }
0x36: {  	s26 =	sadd.s32 $0x1400, s25;
	[sflag:s19] =	ssyncadd.s32 $0xFFFFC000  }
0x37: {  	[spmem:s1] =	stream.indirect.scatter.add.f32 [tilespmem:s17], [sflag:$0x3], $0x80, s26, s16, $0xb8;
	[tilespmem:$0x1E800] =	vst v63  }
0x38: {  	_ =	swait.ge [sflag:s14], $0x4000  }
0x39: {  	[sflag:s14] =	ssyncset.done $0x0  }
0x3a: {  	s26 =	sadd.s32 $0x100, s25;
	[sflag:s14] =	ssyncadd.s32 $0xFFFFC000  }
0x3b: {  	[tilespmem:s17], [sflag:$0x1] =	stream.indirect.gather [hbm4b:s4+s16], $0x80, s26, s16, $0xb8;
	[tilespmem:$0x1E800] =	vst v63  }
0x3c: {  	_ =	swait.ge [sflag:s20], $0x4000  }
0x3d: {  	[sflag:s20] =	ssyncset.done $0x0  }
.Ltmp0:
0x3e: {  	s26 =	sadd.s32 $0x1480, s25;
	[sflag:s20] =	ssyncadd.s32 $0xFFFFC000;
	(pc) =	sbr.rel @p0 .LBB2_2-.Ltmp0, $4  }
0x3f: {  	[spmem:s1] =	stream.indirect.scatter.add.f32 [tilespmem:s18], [sflag:$0x3], $0x80, s26, s16, $0xb8;
	[tilespmem:$0x1E800] =	vst v63  }
0x40: {  	_ =	swait.ge [sflag:s14], $0x4000  }
0x41: {  	[sflag:s14] =	ssyncset.done $0x0  }
0x42: {  	s25 =	sadd.s32 $0x180, s25;
	[sflag:s14] =	ssyncadd.s32 $0xFFFFC000  }
0x43: {  	[tilespmem:s18], [sflag:$0x2] =	stream.indirect.gather [hbm4b:s4+s16], $0x80, s25, s16, $0xb8;
	[tilespmem:$0x1E800] =	vst v63  }
0x44: {  	_ =	swait.ge [sflag:s19], $0x4000  }
0x45: {  	[sflag:s19] =	ssyncset.done $0x0  }
0x46: {  	[sflag:s19] =	ssyncadd.s32 $0xFFFFC000  }
0x47: {  	[spmem:s1] =	stream.indirect.scatter.add.f32 [tilespmem:s17], [sflag:$0x3], $0x80, s21, s16, $0xb8;
	[tilespmem:$0x1E800] =	vst v63  }
0x48: {  	_ =	swait.ge [sflag:s14], $0x4000  }
0x49: {  	[sflag:s14] =	ssyncset.done $0x0  }
0x4a: {  	[sflag:s14] =	ssyncadd.s32 $0xFFFFC000  }
0x4b: {  	_ =	swait.ge [sflag:s20], $0x4000  }
0x4c: {  	[sflag:s20] =	ssyncset.done $0x0  }
0x4d: {  	[sflag:s20] =	ssyncadd.s32 $0xFFFFC000  }
0x4e: {  	[spmem:s1] =	stream.indirect.scatter.add.f32 [tilespmem:s18], [sflag:$0x3], $0x80, s22, s16, $0xb8;
	[tilespmem:$0x1E800] =	vst v63  }
0x4f: {  	_ =	swait.ge [sflag:s14], $0x4000  }
0x50: {  	[sflag:s14] =	ssyncset.done $0x0  }
0x51: {  	s24 =	simm.s32 $0x0;
	[sflag:s14] =	ssyncadd.s32 $0xFFFFC000  }
0x52: {  	[tilespmem:s24], [sflag:$0x3] =	stream.linear.gather [hbm4b:s9+s24], $0x1400, $0x38;
	[tilespmem:$0x1E800] =	vst v63  }
0x53: {  	_ =	swait.ge [sflag:s14], $0x1400  }
0x54: {  	[sflag:s14] =	ssyncset.done $0x0  }
0x55: {  	[sflag:s14] =	ssyncadd.s32 $0xFFFFEC00  }
0x56: {  	[tilespmem:s15], [sflag:$0x3] =	stream.linear.gather [hbm4b:s10+s24], $0x1400, $0x38;
	[tilespmem:$0x1E800] =	vst v63  }
0x57: {  	_ =	swait.ge [sflag:s14], $0x1400  }
0x58: {  	[sflag:s14] =	ssyncset.done $0x0  }
0x59: {  	[sflag:s14] =	ssyncadd.s32 $0xFFFFEC00  }
0x5a: {  	[tilespmem:s17], [sflag:$0x1] =	stream.indirect.gather [hbm4b:s4+s16], $0x80, s24, s16, $0xb8;
	[tilespmem:$0x1E800] =	vst v63  }
0x5b: {  	_ = 	snop  }
0x5c: {  	[tilespmem:s18], [sflag:$0x2] =	stream.indirect.gather [hbm4b:s4+s16], $0x80, s16, s16, $0xb8;
	[tilespmem:$0x1E800] =	vst v63  }
0x5d: {  	_ =	swait.ge [sflag:s19], $0x4000  }
0x5e: {  	[sflag:s19] =	ssyncset.done $0x0  }
0x5f: {  	s29 =	simm.s32 $0x1400;
	[sflag:s19] =	ssyncadd.s32 $0xFFFFC000  }
0x60: {  	[spmem:s1] =	stream.indirect.scatter.add.f32 [tilespmem:s17], [sflag:$0x3], $0x80, s29, s16, $0xb8;
	[tilespmem:$0x1E800] =	vst v63  }
0x61: {  	_ =	swait.ge [sflag:s14], $0x4000  }
0x62: {  	[sflag:s14] =	ssyncset.done $0x0  }
0x63: {  	s30 =	simm.s32 $0x100;
	[sflag:s14] =	ssyncadd.s32 $0xFFFFC000  }
0x64: {  	[tilespmem:s17], [sflag:$0x1] =	stream.indirect.gather [hbm4b:s4+s16], $0x80, s30, s16, $0xb8;
	[tilespmem:$0x1E800] =	vst v63  }
0x65: {  	_ =	swait.ge [sflag:s20], $0x4000  }
0x66: {  	[sflag:s20] =	ssyncset.done $0x0  }
0x67: {  	s31 =	simm.s32 $0x1480;
	[sflag:s20] =	ssyncadd.s32 $0xFFFFC000  }
0x68: {  	[spmem:s1] =	stream.indirect.scatter.add.f32 [tilespmem:s18], [sflag:$0x3], $0x80, s31, s16, $0xb8;
	[tilespmem:$0x1E800] =	vst v63  }
0x69: {  	_ =	swait.ge [sflag:s14], $0x4000  }
0x6a: {  	[sflag:s14] =	ssyncset.done $0x0  }
0x6b: {  	s25 =	simm.s32 $0x180;
	s24 =	simm.s32 $0x400;
	[sflag:s14] =	ssyncadd.s32 $0xFFFFC000  }
.LBB2_4:
0x6c: {  	[tilespmem:s18], [sflag:$0x2] =	stream.indirect.gather [hbm4b:s4+s16], $0x80, s25, s16, $0xb8;
	[tilespmem:$0x1E800] =	vst v63  }
0x6d: {  	s25 =	smov.u32 s24  }
0x6e: {  	p0 =	sne.s32 s24, $0x4800;
	s24 =	sadd.s32 $0x400, s24;
	_ =	swait.ge [sflag:s19], $0x4000  }
0x6f: {  	s25 =	sshra.s32 s25, $0x2;
	[sflag:s19] =	ssyncset.done $0x0  }
0x70: {  	s26 =	sadd.s32 $0x1400, s25;
	[sflag:s19] =	ssyncadd.s32 $0xFFFFC000  }
0x71: {  	[spmem:s1] =	stream.indirect.scatter.add.f32 [tilespmem:s17], [sflag:$0x3], $0x80, s26, s16, $0xb8;
	[tilespmem:$0x1E800] =	vst v63  }
0x72: {  	_ =	swait.ge [sflag:s14], $0x4000  }
0x73: {  	[sflag:s14] =	ssyncset.done $0x0  }
0x74: {  	s26 =	sadd.s32 $0x100, s25;
	[sflag:s14] =	ssyncadd.s32 $0xFFFFC000  }
0x75: {  	[tilespmem:s17], [sflag:$0x1] =	stream.indirect.gather [hbm4b:s4+s16], $0x80, s26, s16, $0xb8;
	[tilespmem:$0x1E800] =	vst v63  }
0x76: {  	_ =	swait.ge [sflag:s20], $0x4000  }
0x77: {  	[sflag:s20] =	ssyncset.done $0x0  }
.Ltmp1:
0x78: {  	s26 =	sadd.s32 $0x1480, s25;
	[sflag:s20] =	ssyncadd.s32 $0xFFFFC000;
	(pc) =	sbr.rel @p0 .LBB2_4-.Ltmp1, $4  }
0x79: {  	[spmem:s1] =	stream.indirect.scatter.add.f32 [tilespmem:s18], [sflag:$0x3], $0x80, s26, s16, $0xb8;
	[tilespmem:$0x1E800] =	vst v63  }
0x7a: {  	_ =	swait.ge [sflag:s14], $0x4000  }
0x7b: {  	[sflag:s14] =	ssyncset.done $0x0  }
0x7c: {  	s25 =	sadd.s32 $0x180, s25;
	[sflag:s14] =	ssyncadd.s32 $0xFFFFC000  }
0x7d: {  	[tilespmem:s18], [sflag:$0x2] =	stream.indirect.gather [hbm4b:s4+s16], $0x80, s25, s16, $0xb8;
	[tilespmem:$0x1E800] =	vst v63  }
0x7e: {  	_ =	swait.ge [sflag:s19], $0x4000  }
0x7f: {  	[sflag:s19] =	ssyncset.done $0x0  }
0x80: {  	[sflag:s19] =	ssyncadd.s32 $0xFFFFC000  }
0x81: {  	[spmem:s1] =	stream.indirect.scatter.add.f32 [tilespmem:s17], [sflag:$0x3], $0x80, s21, s16, $0xb8;
	[tilespmem:$0x1E800] =	vst v63  }
0x82: {  	_ =	swait.ge [sflag:s14], $0x4000  }
0x83: {  	[sflag:s14] =	ssyncset.done $0x0  }
0x84: {  	[sflag:s14] =	ssyncadd.s32 $0xFFFFC000  }
0x85: {  	_ =	swait.ge [sflag:s20], $0x4000  }
0x86: {  	[sflag:s20] =	ssyncset.done $0x0  }
0x87: {  	[sflag:s20] =	ssyncadd.s32 $0xFFFFC000  }
0x88: {  	[spmem:s1] =	stream.indirect.scatter.add.f32 [tilespmem:s18], [sflag:$0x3], $0x80, s22, s16, $0xb8;
	[tilespmem:$0x1E800] =	vst v63  }
0x89: {  	_ =	swait.ge [sflag:s14], $0x4000  }
0x8a: {  	s23 =	sadd.s32 $0x1, s23;
	[sflag:s14] =	ssyncset.done $0x0  }
0x8b: {  	p0 =	sne.s32 s23, s12;
	[sflag:s14] =	ssyncadd.s32 $0xFFFFC000  }
.Ltmp2:
0x8c: {  	[bflag:$0x0] =	sbarrier.arrive $0xFFFF;
	(pc) =	sbr.rel @p0 .LBB2_1-.Ltmp2, $4  }
0x8d: {  	[hbm:s11], [sflag:s6] =	dma.local [spmem:s13], $0x2800  }
0x8e: {  	_ =	swait.ge [sflag:s14], $0x2800  }
0x8f: {  	[sflag:s14] =	ssyncset.done $0x0  }
0x90: {  	[sflag:s14] =	ssyncadd.s32 $0xFFFFD800  }
0x91: {  	_ =	sfence.sel $0x180000  }
0x92: {  	[bflag:$0x0] =	sbarrier.arrive $0xFFFF  }
0x93: {  	p0 =	sne.s32 s2, $0x0;
	_ =	strace $0x9000004D  }
0x94: {  	s0 =	sadd.s32 @!p0 $0x100000, s0;
	[bflag:$0x2] =	sbarrier.arrive $0xFFFF  }
0x95: {  	[sflag:s0] =	ssyncadd.tile.s32 @!p0 $0x1;
	_ =	shalt  }
.Lfunc_end2:
_tile_overlayer_lowered:
.L_overlay_start_2:
0x96: {  	(tag) =	ssettag $0x2  }
0x97: {  	s0 =	rddreg [dreg:$0x0];
	s2 =	stileid.u32  }
0x98: {  	s1 =	rddreg [dreg:$0x1];
	p0 =	sne.s32 s2, $0x0  }
0x99: {  	s3 =	rddreg [dreg:$0x2];
	[bflag:$0x3] =	sbarrier.arrive $0xFFFF;
	s2 =	simm.s32 @!p0 $0x1C03  }
0x9a: {  	[timem:s3], [sflag:s2] =	dma.local @!p0 [hbm:s0], s1  }
0x9b: {  	s0 =	simm.s32 @!p0 $0x3  }
0x9c: {  	_ =	swait.ge @!p0 [sflag:s0], s1  }
0x9d: {  	s1 =	ssub.s32 @!p0 $0x0, s1;
	[sflag:s0] =	ssyncset.done @!p0 $0x0  }
0x9e: {  	[sflag:s0] =	ssyncadd.s32 @!p0 s1  }
0x9f: {  	[bflag:$0x3] =	sbarrier.arrive $0xFFFF  }
0xa0: {  	_ =	shalt  }

// kernel: kernel.8.cloned.1.call-start
scs
__scs_entry_jumppad:
0x0: {  	(pc) =	sbr.rel $0x88, $3  }
0x1: {  	(tag) =	ssettag $0x0;
	lr =	simm.s32 $0x1  }
0x2: {  	[smem:$0x3F93] =	sst lr;
	_ =	strace $0xD0000000  }
0x3: {  	_ = 	snop  }
0x4: {  	_ = 	snop  }
0x5: {  	_ = 	snop  }
0x6: {  	_ = 	snop  }
0x7: {  	_ = 	snop  }
__scs_overlays_trampoline_lowered:
0x8: {  	[smem:$0x3FA2] =	sst s0  }
0x9: {  	[smem:$0x3FA3] =	sst s1  }
0xa: {  	[smem:$0x3FA4] =	sst s2  }
0xb: {  	[smem:$0x3FA5] =	sst s3  }
0xc: {  	[smem:$0x3FA6] =	sst s4  }
0xd: {  	[smem:$0x3FA7] =	sst s5  }
0xe: {  	[smem:$0x3FA8] =	sst s6  }
0xf: {  	[smem:$0x3FA9] =	sst s7  }
0x10: {  	[smem:$0x3FAA] =	sst s8  }
0x11: {  	[smem:$0x3FAB] =	sst s9;
	s0 =	simm.s32 @!p0 $0x0  }
0x12: {  	s1 =	sld [smem:$0x3F91];
	s0 =	simm.s32 @p0 $0x1  }
0x13: {  	[smem:$0x3FAC] =	sst s0;
	s0 =	simm.s32 @!p1 $0x0  }
0x14: {  	s2 =	sld [smem:$0x3F90];
	s0 =	simm.s32 @p1 $0x1  }
0x15: {  	[smem:$0x3FAD] =	sst s0;
	s0 =	simm.s32 @!p2 $0x0  }
0x16: {  	s3 =	sld [smem:$0x3FDB];
	s0 =	simm.s32 @p2 $0x1  }
0x17: {  	s4 =	simm.s32 $0x1BF5;
	[smem:$0x3FAF] =	sst s0  }
0x18: {  	s0 =	sld [smem:$0x3F92];
	_ =	swait.ge [sflag:s4], $0x0  }
0x19: {  	s7 =	sld [smem:$0x3F93]  }
0x1a: {  	s8 =	sadd.s32 $0xFFFFE003, lr  }
0x1b: {  	s9 =	sadd.s32 $0xFFFFFEF7, lr;
	s5 =	simm.s32 $0xFFFFFFFF;
	p2 =	slt.u32 s8, $0xFFFFF086  }
0x1c: {  	p1 =	slt.u32 s9, $0xF7A;
	s5 =	simm.s32 @!p2 $0x0  }
0x1d: {  	s5 =	simm.s32 @p1 $0x1;
	p0 =	seq.s32 s7, s2  }
0x1e: {  	s7 =	smul.u32 @!p0 $0xF7A, s2;
	p2 =	seq.s32 @!p0 s5, $0x0  }
0x1f: {  	s9 =	smul.u32 $0xF7A, s1;
	s8 =	simm.s32 @!p0 $0x1BF5;
	p2 =	por !p2, p0  }
0x20: {  	[sflag:s8] =	ssyncset.s32 @!p0 $0xFFFFF086;
	s6 =	sadd.s32 @!p0 s3, s7;
	s7 =	simm.s32 @!p0 $0x108  }
0x21: {  	s3 =	sadd.s32 s3, s9;
	s6 =	sadd.s32 @!p0 $0x88, s6;
	s7 =	simm.s32 @p2 $0x1082  }
0x22: {  	[simem:s7], [sflag:s8] =	dma.local @!p0 [hbm:s6], $0xF7A  }
0x23: {  	s9 =	sor.u32 $0xD0000000, s2;
	s6 =	simm.s32 $0x108;
	_ =	swait.ge @!p0 [sflag:s8], $0x0  }
0x24: {  	s3 =	sadd.s32 $0x88, s3;
	s6 =	simm.s32 @!p1 $0x1082;
	[sflag:s4] =	ssyncset.s32 $0xFFFFF086  }
0x25: {  	[simem:s6], [sflag:s4] =	dma.local [hbm:s3], $0xF7A  }
0x26: {  	[smem:$0x3F93] =	sst s1;
	(tag) =	ssettag s2;
	_ =	strace s9  }
0x27: {  	s1 =	sld [smem:$0x3FA3]  }
0x28: {  	s2 =	sld [smem:$0x3FA4]  }
0x29: {  	s4 =	sld [smem:$0x3FA6]  }
0x2a: {  	p0 =	seq.s32 s5, $0x0;
	s5 =	sld [smem:$0x3FA7]  }
0x2b: {  	s6 =	sld [smem:$0x3FA8]  }
0x2c: {  	s7 =	sld [smem:$0x3FA9]  }
0x2d: {  	s3 =	simm.s32 $0x108;
	s8 =	sld [smem:$0x3FAA]  }
0x2e: {  	s3 =	simm.s32 @!p0 $0x1082;
	s9 =	sld [smem:$0x3FAB]  }
0x2f: {  	lr =	sadd.s32 s0, s3;
	s0 =	sld [smem:$0x3FA2]  }
0x30: {  	s3 =	sld [smem:$0x3FA5]  }
0x31: {  	[smem:$0x3FAE] =	sst s10  }
0x32: {  	s10 =	sld [smem:$0x3FAC];
	_ =	sdelay $0x3  }
0x33: {  	p0 =	seq.s32 s10, $0x1;
	s10 =	sld [smem:$0x3FAE];
	_ =	sdelay $0x3  }
0x34: {  	[smem:$0x3FAE] =	sst s10  }
0x35: {  	s10 =	sld [smem:$0x3FAD];
	_ =	sdelay $0x3  }
0x36: {  	p1 =	seq.s32 s10, $0x1;
	s10 =	sld [smem:$0x3FAE];
	_ =	sdelay $0x3  }
0x37: {  	[smem:$0x3FAE] =	sst s10  }
0x38: {  	s10 =	sld [smem:$0x3FAF]  }
0x39: {  	_ = 	snop;
	(pc) =	sbr.ind lr, $3  }
0x3a: {  	_ = 	snop  }
0x3b: {  	_ = 	snop  }
0x3c: {  	p2 =	seq.s32 s10, $0x1;
	s10 =	sld [smem:$0x3FAE]  }
0x3d: {  	_ =	shalt  }
0x3e: {  	_ =	shalt  }
0x3f: {  	_ =	shalt  }
0x40: {  	_ =	shalt  }
0x41: {  	_ =	shalt  }
0x42: {  	_ =	shalt  }
0x43: {  	_ =	shalt  }
0x44: {  	_ =	shalt  }
0x45: {  	_ =	shalt  }
0x46: {  	_ =	shalt  }
0x47: {  	_ =	shalt  }
0x48: {  	_ =	shalt  }
0x49: {  	_ =	shalt  }
0x4a: {  	_ =	shalt  }
0x4b: {  	_ =	shalt  }
0x4c: {  	_ =	shalt  }
0x4d: {  	_ =	shalt  }
0x4e: {  	_ =	shalt  }
0x4f: {  	_ =	shalt  }
0x50: {  	_ =	shalt  }
0x51: {  	_ =	shalt  }
0x52: {  	_ =	shalt  }
0x53: {  	_ =	shalt  }
0x54: {  	_ =	shalt  }
0x55: {  	_ =	shalt  }
0x56: {  	_ =	shalt  }
0x57: {  	_ =	shalt  }
0x58: {  	_ =	shalt  }
0x59: {  	_ =	shalt  }
0x5a: {  	_ =	shalt  }
0x5b: {  	_ =	shalt  }
0x5c: {  	_ =	shalt  }
0x5d: {  	_ =	shalt  }
0x5e: {  	_ =	shalt  }
0x5f: {  	_ =	shalt  }
0x60: {  	_ =	shalt  }
0x61: {  	_ =	shalt  }
0x62: {  	_ =	shalt  }
0x63: {  	_ =	shalt  }
0x64: {  	_ =	shalt  }
0x65: {  	_ =	shalt  }
0x66: {  	_ =	shalt  }
0x67: {  	_ =	shalt  }
0x68: {  	_ =	shalt  }
0x69: {  	_ =	shalt  }
0x6a: {  	_ =	shalt  }
0x6b: {  	_ =	shalt  }
0x6c: {  	_ =	shalt  }
0x6d: {  	_ =	shalt  }
0x6e: {  	_ =	shalt  }
0x6f: {  	_ =	shalt  }
0x70: {  	_ =	shalt  }
0x71: {  	_ =	shalt  }
0x72: {  	_ =	shalt  }
0x73: {  	_ =	shalt  }
0x74: {  	_ =	shalt  }
0x75: {  	_ =	shalt  }
0x76: {  	_ =	shalt  }
0x77: {  	_ =	shalt  }
0x78: {  	_ =	shalt  }
0x79: {  	_ =	shalt  }
0x7a: {  	_ =	shalt  }
0x7b: {  	_ =	shalt  }
0x7c: {  	_ =	shalt  }
0x7d: {  	_ =	shalt  }
0x7e: {  	_ =	shalt  }
0x7f: {  	_ =	shalt  }
0x80: {  	_ =	shalt  }
0x81: {  	_ =	shalt  }
0x82: {  	_ =	shalt  }
0x83: {  	_ =	shalt  }
0x84: {  	_ =	shalt  }
0x85: {  	_ =	shalt  }
0x86: {  	_ =	shalt  }
0x87: {  	_ =	shalt  }
.Lfunc_end0:
.L_simem_size_0:
called_computation_lowered:
.L_overlay_start_0:
0x88: {  	s2 =	sld [smem:$0x3FD9]  }
0x89: {  	s3 =	sld [smem:$0x3FFE];
	_ =	sdelay $0x1  }
0x8a: {  	s1 =	srdreg.scid  }
0x8b: {  	s0 =	sand.u32 $0x1, s1  }
0x8c: {  	s14 =	sshll.u32 s0, $0xA;
	s2 =	sadd.s32 s3, s2  }
0x8d: {  	s2 =	sadd.s32 s2, s14  }
0x8e: {  	[smem:$0x3FBA] =	sst s2  }
0x8f: {  	_ = 	snop  }
0x90: {  	s2 =	sld [smem:$0x3FD0];
	_ =	sdelay $0x2  }
0x91: {  	s15 =	simm.s32 $0xA;
	s4 =	simm.s32 $0x10  }
0x92: {  	[smem:s4], [sflag:s15] =	dma.local [hbm:s2], $0x1  }
0x93: {  	_ =	swait.eq [sflag:s15], $0x1  }
0x94: {  	[sflag:s15] =	ssyncset.done $0x0  }
0x95: {  	s16 =	sld [smem:$0x10];
	[sflag:s15] =	ssyncadd.s32 $0xFFFFFFFF  }
0x96: {  	s17 =	sld [smem:$0x11];
	(tm) =	ssettm $0x1  }
0x97: {  	s18 =	sld [smem:$0x3FFB];
	_ =	sdelay $0x3  }
0x98: {  	_ =	strace s18  }
0x99: {  	s4 =	sld [smem:$0x3FFC];
	_ =	sdelay $0x3  }
0x9a: {  	_ =	strace s4  }
0x9b: {  	s4 =	sld [smem:$0x3FFD];
	_ =	sdelay $0x3  }
0x9c: {  	_ =	strace s4  }
0x9d: {  	_ =	strace $0x8FFFFFFF  }
0x9e: {  	s19 =	sld [smem:$0x3FDB];
	_ =	sdelay $0x1  }
0x9f: {  	s5 =	simm.s32 $_scs_section_size  }
0xa0: {  	s6 =	simm.s32 $_size__tile_overlayer_lowered;
	s7 =	simm.s32 $_tile_overlayer_lowered  }
0xa1: {  	s22 =	simm.s32 $0x1BFF;
	s21 =	sshll.u32 s7, $0x1;
	s4 =	sadd.s32 s5, s19  }
0xa2: {  	s8 =	simm.s32 $0x0;
	s20 =	sshll.u32 s6, $0x1;
	s6 =	sadd.s32 s21, s4  }
0xa3: {  	[timem:s8], [sflag:s22] =	dma.local [hbm:s6], s20  }
0xa4: {  	_ =	swait.ge [sflag:s22], s20  }
0xa5: {  	s5 =	ssub.s32 $0x0, s20;
	[sflag:s22] =	ssyncset.done $0x0  }
0xa6: {  	[sflag:s22] =	ssyncadd.s32 s5;
	_ =	sdelay $0x1  }
0xa7: {  	s23 =	simm.s32 $0x1B8B  }
0xa8: {  	_ =	swait.ge [sflag:s23], $0x1  }
0xa9: {  	[sflag:s23] =	ssyncset.done $0x0  }
0xaa: {  	s25 =	simm.s32 $0x1B8E;
	s24 =	sld [smem:$0x3FFE];
	[sflag:s23] =	ssyncadd.s32 $0xFFFFFFFF  }
0xab: {  	s26 =	simm.s32 $execute0_lowered;
	[smem:$0x3FD2] =	sst s25  }
0xac: {  	s6 =	sshll.u32 s26, $0x1;
	_ =	strace $0x80000046;
	[dreg:$0x1] =	wrdreg $0xFFFFFFFF  }
0xad: {  	s28 =	simm.s32 $_size_execute0_lowered;
	s4 =	sadd.s32 s4, s6;
	[dreg:$0x0] =	wrdreg $0x0  }
0xae: {  	s6 =	sshll.u32 s28, $0x1;
	[dreg:$0x2] =	wrdreg s4  }
0xaf: {  	[dreg:$0x3] =	wrdreg s6  }
0xb0: {  	[dreg:$0x4] =	wrdreg $0xC0  }
0xb1: {  	_ =	task [dreg:s8], $0x5FFFF  }
0xb2: {  	[dreg:$0x1] =	wrdreg $0xFFFFFFFF  }
0xb3: {  	[dreg:$0x0] =	wrdreg $0x60  }
0xb4: {  	[dreg:$0x2] =	wrdreg s24  }
0xb5: {  	[dreg:$0x3] =	wrdreg s16  }
0xb6: {  	[dreg:$0x4] =	wrdreg s17  }
0xb7: {  	[dreg:$0x5] =	wrdreg $0xA0800  }
0xb8: {  	[dreg:$0x6] =	wrdreg $0xA3000  }
0xb9: {  	[dreg:$0x7] =	wrdreg $0x9  }
0xba: {  	_ =	task.clear_ibuf [dreg:s8], $0x8FFFF;
	_ =	strace $0x90000046  }
0xbb: {  	s29 =	simm.s32 $0x9;
	_ =	strace $0x80000048  }
0xbc: {  	_ =	swait.ge [sflag:s29], $0x1  }
0xbd: {  	[sflag:s29] =	ssyncadd.s32 $0xFFFFFFFF  }
0xbe: {  	_ =	strace $0x90000048  }
0xbf: {  	_ =	sfence  }
0xc0: {  	s30 =	sld [smem:$0x0];
	_ =	sdelay $0x2  }
0xc1: {  	s31 =	sshll.u32 s1, $0xD;
	s1 =	sshrl.u32 s1, $0x2  }
0xc2: {  	s3 =	sand.u32 $0x4000, s31;
	s1 =	sadd.s32 s1, s30  }
0xc3: {  	s0 =	sor.u32 s3, s0;
	s1 =	sshll.u32 s1, $0x11  }
0xc4: {  	s0 =	sor.u32 s1, s0  }
0xc5: {  	s0 =	sadd.s32 $0x8F2B, s0  }
0xc6: {  	[sflag:s0] =	ssyncadd.remote.s32 $0x1  }
0xc7: {  	_ =	sfence.sel $0xFFFF  }
0xc8: {  	[dreg:$0x0] =	wrdreg $0xFFFFFFFF;
	(pc) =	sbr.abs _section_cstart, $3  }
0xc9: {  	[dreg:$0x1] =	wrdreg $0xFFFFFFFF  }
0xca: {  	_ =	task.clear_ibuf [dreg:s8], $0x2FFFF;
	_ =	strace $0x9FFFFFFF  }
0xcb: {  	(tm) =	ssettm $0x7FFFFFFF  }
tec
execute0_lowered:
.L_overlay_start_1:
0x0: {  	(tag) =	ssettag $0x1  }
0x1: {  	s5 =	rddreg [dreg:$0x0]  }
0x2: {  	s6 =	rddreg [dreg:$0x1]  }
0x3: {  	s1 =	rddreg [dreg:$0x2]  }
0x4: {  	s2 =	rddreg [dreg:$0x3];
	s0 =	srdreg.scid  }
0x5: {  	s3 =	rddreg [dreg:$0x4];
	s19 =	stileid.u32  }
0x6: {  	s4 =	simm.s32 $0x0;
	s14 =	simm.s32 $0x1;
	s15 =	simm.s32 $0x2800  }
0x7: {  	s16 =	simm.s32 $0xA000;
	s17 =	simm.s32 $0x5000;
	s18 =	simm.s32 $0x7800  }
0x8: {  	s22 =	simm.s32 $0x0;
	s7 =	sand.u32 $0x1, s0;
	s0 =	rddreg [dreg:$0x5]  }
0x9: {  	[smem:$0x7FF] =	sst s4;
	s31 =	sshll.u32 s19, $0xA;
	p1 =	sgt.u32 s19, $0x9  }
0xa: {  	p0 =	sne.s32 s19, $0x0;
	s8 =	sshll.u32 s7, $0x4;
	s9 =	smul.u32 $0x5000, s7  }
0xb: {  	s7 =	ssub.s32 $0x2, s7;
	_ =	strace $0x80000047;
	s20 =	sshrl.u32 @!p0 s2, $0x3  }
0xc: {  	s21 =	sshrl.u32 @!p0 s3, $0x3;
	s8 =	sor.u32 s19, s8;
	s10 =	sshrl.u32 s7, $0x1  }
0xd: {  	s19 =	simm.s32 $0x50;
	s8 =	smul.u32 $0x500, s8;
	s9 =	sshrl.u32 s9, $0x3  }
0xe: {  	s13 =	ssub.s32 s7, s10;
	s7 =	sadd.s32 s31, s2;
	s10 =	sadd.s32 $0x7800, s31  }
0xf: {  	s12 =	sadd.s32 s9, s5;
	s9 =	sadd.s32 s31, s3;
	s13 =	smax.u32 s13, $0x1  }
0x10: {  	s11 =	sadd.s32 s8, s5;
	s6 =	sadd.s32 s6, s8;
	s8 =	sadd.s32 $0x5000, s31  }
0x11: {  	v0 =	vimm.f32 $0.0e+00;
	v1 =	vimm.f32 $1.000000000e+00;
	s5 =	sadd.s32 $0xE00, s11;
	s11 =	sadd.s32 $0xAE00, s12;
	s12 =	sadd.s32 $0xB300, s12  }
.LBB2_1:
0x12: {  	[tilespmem:s4], [sflag:$0x1] =	stream.linear.gather [hbm4b:s5+s4], $0x2800, $0x38;
	[tilespmem:$0xA580] =	vst v63  }
0x13: {  	_ =	swait.ge [sflag:s14], $0x2800  }
0x14: {  	[sflag:s14] =	ssyncset.done $0x0  }
0x15: {  	[sflag:s14] =	ssyncadd.s32 $0xFFFFD800  }
0x16: {  	[tilespmem:s15], [sflag:$0x1] =	stream.linear.gather [hbm4b:s6+s4], $0x2800, $0x38;
	[tilespmem:$0xA580] =	vst v63  }
0x17: {  	_ =	swait.ge [sflag:s14], $0x2800  }
0x18: {  	[sflag:s14] =	ssyncset.done $0x0  }
0x19: {  	[sflag:s14] =	ssyncadd.s32 $0xFFFFD800  }
0x1a: {  	[tilespmem:s16], [sflag:$0x1] =	stream.linear.gather [hbm4b:s1+s4], $0x80, $0x38;
	[tilespmem:$0xA580] =	vst v63  }
0x1b: {  	_ =	swait.ge [sflag:s14], $0x80  }
0x1c: {  	[sflag:s14] =	ssyncset.done $0x0  }
0x1d: {  	s23 =	simm.s32 $0x0;
	s24 =	simm.s32 $0x200;
	[sflag:s14] =	ssyncadd.s32 $0xFFFFFF80  }
.LBB2_2:
0x1e: {  	p2 =	sne.s32 s24, $0x9E00;
	[tilespmem:s23+$0x7870] =	vst v0  }
0x1f: {  	[tilespmem:s23+$0x5000] =	vst v0  }
0x20: {  	[tilespmem:s23+$0x7800] =	vst v0  }
0x21: {  	[tilespmem:s23+$0x5010] =	vst v0  }
0x22: {  	[tilespmem:s23+$0x7810] =	vst v0  }
0x23: {  	[tilespmem:s23+$0x5020] =	vst v0  }
0x24: {  	[tilespmem:s23+$0x7820] =	vst v0  }
0x25: {  	[tilespmem:s23+$0x5030] =	vst v0  }
0x26: {  	[tilespmem:s23+$0x7830] =	vst v0  }
0x27: {  	[tilespmem:s23+$0x5040] =	vst v0  }
0x28: {  	[tilespmem:s23+$0x7840] =	vst v0  }
.Ltmp0:
0x29: {  	[tilespmem:s23+$0x5050] =	vst v0;
	(pc) =	sbr.rel @p2 .LBB2_2-.Ltmp0, $4  }
0x2a: {  	[tilespmem:s23+$0x7850] =	vst v0  }
0x2b: {  	[tilespmem:s23+$0x5060] =	vst v0  }
0x2c: {  	[tilespmem:s23+$0x7860] =	vst v0  }
0x2d: {  	[tilespmem:s23+$0x5070] =	vst v0;
	s23 =	sshra.s32 s24, $0x2;
	s24 =	sadd.s32 $0x200, s24  }
0x2e: {  	[tilespmem:s23+$0x7870] =	vst v0  }
0x2f: {  	[tilespmem:s23+$0x5000] =	vst v0  }
0x30: {  	[tilespmem:s23+$0x7800] =	vst v0  }
0x31: {  	[tilespmem:s23+$0x5010] =	vst v0  }
0x32: {  	[tilespmem:s23+$0x7810] =	vst v0  }
0x33: {  	[tilespmem:s23+$0x5020] =	vst v0  }
0x34: {  	[tilespmem:s23+$0x7820] =	vst v0  }
0x35: {  	[tilespmem:s23+$0x5030] =	vst v0  }
0x36: {  	[tilespmem:s23+$0x7830] =	vst v0  }
0x37: {  	[tilespmem:s23+$0x5040] =	vst v0  }
0x38: {  	[tilespmem:s23+$0x7840] =	vst v0  }
0x39: {  	[tilespmem:s23+$0x5050] =	vst v0  }
0x3a: {  	[tilespmem:s23+$0x7850] =	vst v0  }
0x3b: {  	[tilespmem:s23+$0x5060] =	vst v0  }
0x3c: {  	[tilespmem:s23+$0x7860] =	vst v0  }
0x3d: {  	[tilespmem:s23+$0x5070] =	vst v0;
	s23 =	simm.s32 @!p1 $0x1  }
0x3e: {  	[spmem:s7] =	stream.linear.scatter @!p1 [tilespmem:s8], [sflag:$0x1], $0x400, $0x38;
	[tilespmem:$0xA580] =	vst v63  }
0x3f: {  	_ =	swait.ge @!p1 [sflag:s23], $0x400  }
0x40: {  	[sflag:s23] =	ssyncset.done @!p1 $0x0  }
0x41: {  	[sflag:s23] =	ssyncadd.s32 @!p1 $0xFFFFFC00  }
0x42: {  	[spmem:s9] =	stream.linear.scatter @!p1 [tilespmem:s10], [sflag:$0x1], $0x400, $0x38;
	[tilespmem:$0xA580] =	vst v63  }
0x43: {  	_ =	swait.ge @!p1 [sflag:s23], $0x400  }
0x44: {  	[sflag:s23] =	ssyncset.done @!p1 $0x0  }
0x45: {  	[sflag:s23] =	ssyncadd.s32 @!p1 $0xFFFFFC00  }
0x46: {  	s23 =	simm.s32 $0x0;
	[bflag:$0x0] =	sbarrier.arrive $0xFFFF  }
.LBB2_4:
0x47: {  	s24 =	sshra.s32 s23, $0x2  }
0x48: {  	v2 =	vld [tilespmem:s24+$0x0];
	_ =	sdelay $0x7  }
0x49: {  	[tilespmem:v2+s17+$0x0] =	vst.idx.add.f32.msk $0xffff, v1  }
0x4a: {  	v2 =	vld [tilespmem:s24+$0x2800];
	_ =	sdelay $0x7  }
0x4b: {  	[tilespmem:v2+s18+$0x0] =	vst.idx.add.f32.msk $0xffff, v1  }
0x4c: {  	v2 =	vld [tilespmem:s24+$0x10];
	_ =	sdelay $0x7  }
0x4d: {  	[tilespmem:v2+s17+$0x0] =	vst.idx.add.f32.msk $0xffff, v1  }
0x4e: {  	v2 =	vld [tilespmem:s24+$0x2810];
	_ =	sdelay $0x7  }
0x4f: {  	[tilespmem:v2+s18+$0x0] =	vst.idx.add.f32.msk $0xffff, v1  }
0x50: {  	v2 =	vld [tilespmem:s24+$0x20];
	_ =	sdelay $0x7  }
0x51: {  	[tilespmem:v2+s17+$0x0] =	vst.idx.add.f32.msk $0xffff, v1  }
0x52: {  	v2 =	vld [tilespmem:s24+$0x2820];
	_ =	sdelay $0x7  }
0x53: {  	[tilespmem:v2+s18+$0x0] =	vst.idx.add.f32.msk $0xffff, v1  }
0x54: {  	v2 =	vld [tilespmem:s24+$0x30];
	_ =	sdelay $0x7  }
0x55: {  	[tilespmem:v2+s17+$0x0] =	vst.idx.add.f32.msk $0xffff, v1  }
0x56: {  	v2 =	vld [tilespmem:s24+$0x2830];
	_ =	sdelay $0x7  }
0x57: {  	[tilespmem:v2+s18+$0x0] =	vst.idx.add.f32.msk $0xffff, v1  }
0x58: {  	v2 =	vld [tilespmem:s24+$0x40];
	_ =	sdelay $0x7  }
0x59: {  	[tilespmem:v2+s17+$0x0] =	vst.idx.add.f32.msk $0xffff, v1  }
0x5a: {  	v2 =	vld [tilespmem:s24+$0x2840];
	_ =	sdelay $0x7  }
0x5b: {  	[tilespmem:v2+s18+$0x0] =	vst.idx.add.f32.msk $0xffff, v1  }
0x5c: {  	v2 =	vld [tilespmem:s24+$0x50];
	_ =	sdelay $0x7  }
0x5d: {  	[tilespmem:v2+s17+$0x0] =	vst.idx.add.f32.msk $0xffff, v1  }
0x5e: {  	v2 =	vld [tilespmem:s24+$0x2850];
	_ =	sdelay $0x7  }
0x5f: {  	[tilespmem:v2+s18+$0x0] =	vst.idx.add.f32.msk $0xffff, v1  }
0x60: {  	v2 =	vld [tilespmem:s24+$0x60];
	_ =	sdelay $0x7  }
0x61: {  	[tilespmem:v2+s17+$0x0] =	vst.idx.add.f32.msk $0xffff, v1  }
0x62: {  	v2 =	vld [tilespmem:s24+$0x2860];
	_ =	sdelay $0x7  }
0x63: {  	[tilespmem:v2+s18+$0x0] =	vst.idx.add.f32.msk $0xffff, v1  }
0x64: {  	v2 =	vld [tilespmem:s24+$0x70];
	_ =	sdelay $0x7  }
0x65: {  	[tilespmem:v2+s17+$0x0] =	vst.idx.add.f32.msk $0xffff, v1  }
0x66: {  	v2 =	vld [tilespmem:s24+$0x2870];
	_ =	sdelay $0x2  }
0x67: {  	p2 =	sne.s32 s23, $0x9E00  }
.Ltmp1:
0x68: {  	_ = 	snop;
	(pc) =	sbr.rel @p2 .LBB2_4-.Ltmp1, $2  }
0x69: {  	_ =	sdelay $0x2  }
0x6a: {  	s23 =	sadd.s32 $0x200, s23;
	[tilespmem:v2+s18+$0x0] =	vst.idx.add.f32.msk $0xffff, v1  }
0x6b: {  	[spmem:s2] =	stream.indirect.scatter.add.f32 [tilespmem:s17], [sflag:$0x1], $0x80, s16, s19, $0xb8;
	[tilespmem:$0xA580] =	vst v63  }
0x6c: {  	_ =	swait.ge [sflag:s14], $0x2800  }
0x6d: {  	[sflag:s14] =	ssyncset.done $0x0  }
0x6e: {  	[sflag:s14] =	ssyncadd.s32 $0xFFFFD800  }
0x6f: {  	[spmem:s3] =	stream.indirect.scatter.add.f32 [tilespmem:s18], [sflag:$0x1], $0x80, s16, s19, $0xb8;
	[tilespmem:$0xA580] =	vst v63  }
0x70: {  	_ =	swait.ge [sflag:s14], $0x2800  }
0x71: {  	[sflag:s14] =	ssyncset.done $0x0  }
0x72: {  	[sflag:s14] =	ssyncadd.s32 $0xFFFFD800  }
0x73: {  	s23 =	simm.s32 @!p0 $0x1C01;
	s24 =	simm.s32 @!p0 $0x1;
	[bflag:$0x0] =	sbarrier.arrive $0xFFFF  }
0x74: {  	[hbm:s11], [sflag:s23] =	dma.local @!p0 [spmem:s20], $0x500  }
0x75: {  	s22 =	sadd.s32 $0x1, s22;
	_ =	swait.ge @!p0 [sflag:s24], $0x500  }
0x76: {  	p2 =	sne.s32 s22, s13;
	[sflag:s24] =	ssyncset.done @!p0 $0x0  }
.Ltmp2:
0x77: {  	[sflag:s24] =	ssyncadd.s32 @!p0 $0xFFFFFB00;
	(pc) =	sbr.rel @p2 .LBB2_1-.Ltmp2, $4  }
0x78: {  	[hbm:s12], [sflag:s23] =	dma.local @!p0 [spmem:s21], $0x500  }
0x79: {  	_ =	swait.ge @!p0 [sflag:s24], $0x500  }
0x7a: {  	[sflag:s24] =	ssyncset.done @!p0 $0x0  }
0x7b: {  	[sflag:s24] =	ssyncadd.s32 @!p0 $0xFFFFFB00  }
0x7c: {  	_ =	sfence.sel $0x180000  }
0x7d: {  	[bflag:$0x0] =	sbarrier.arrive $0xFFFF  }
0x7e: {  	_ =	strace $0x90000047  }
0x7f: {  	s0 =	sadd.s32 @!p0 $0x100000, s0;
	[bflag:$0x2] =	sbarrier.arrive $0xFFFF  }
0x80: {  	[sflag:s0] =	ssyncadd.tile.s32 @!p0 $0x1;
	_ =	shalt  }
.Lfunc_end2:
_tile_overlayer_lowered:
.L_overlay_start_2:
0x81: {  	(tag) =	ssettag $0x2  }
0x82: {  	s0 =	rddreg [dreg:$0x0];
	s2 =	stileid.u32  }
0x83: {  	s1 =	rddreg [dreg:$0x1];
	p0 =	sne.s32 s2, $0x0  }
0x84: {  	s3 =	rddreg [dreg:$0x2];
	[bflag:$0x3] =	sbarrier.arrive $0xFFFF;
	s2 =	simm.s32 @!p0 $0x1C01  }
0x85: {  	[timem:s3], [sflag:s2] =	dma.local @!p0 [hbm:s0], s1  }
0x86: {  	s0 =	simm.s32 @!p0 $0x1  }
0x87: {  	_ =	swait.ge @!p0 [sflag:s0], s1  }
0x88: {  	s1 =	ssub.s32 @!p0 $0x0, s1;
	[sflag:s0] =	ssyncset.done @!p0 $0x0  }
0x89: {  	[sflag:s0] =	ssyncadd.s32 @!p0 s1  }
0x8a: {  	[bflag:$0x3] =	sbarrier.arrive $0xFFFF  }
0x8b: {  	_ =	shalt  }

</sc_bundles>
